<compile_context>
chip_gen: v7x
topology: tpu7x:2x2x1
jax: 0.10.2.dev20260603
libtpu: 0.0.44.dev20260713+nightly
codegen_flags: <defaults>
</compile_context>

<pallas_src>
import functools

import jax
import jax.numpy as jnp
from jax import lax
from jax.experimental import pallas as pl
from jax.experimental.pallas import tpu as pltpu
from jax.experimental.pallas import tpu_sc as plsc

N = 10000
E = 320000
IN = 128
OUT = 128
R = 8

NC = 2
NS = 16
NW = NC * NS
EW = E // NW
CH = 128
NFULL = EW // CH
TAIL = EW - NFULL * CH
NP = 10240
RPT = NP // NS

PBLK = 2000
PGRID = N // PBLK
EROW = E // 128
EBLK = EROW // PGRID

BLK = 5000
NBLK = N // BLK


def _transform_body(wc_ref, basis_ref, h_ref, typ_ref, ef_ref,
                    out_ref, gidx_ref, hbf_ref):
    r = pl.program_id(0)

    @pl.when(r == 0)
    def _():
        hbf_ref[...] = h_ref[...].astype(jnp.bfloat16)
        gidx_ref[...] = typ_ref[...] * N + ef_ref[0]

    w = wc_ref[r, 0] * basis_ref[0]
    for b in range(1, R):
        w = w + wc_ref[r, b] * basis_ref[b]
    out_ref[...] = jnp.dot(
        hbf_ref[...], w.astype(jnp.bfloat16), preferred_element_type=jnp.float32
    )


_transform = pl.pallas_call(
    _transform_body,
    grid=(R,),
    out_shape=(
        jax.ShapeDtypeStruct((R * N, OUT), jnp.float32),
        jax.ShapeDtypeStruct((EROW, 128), jnp.int32),
    ),
    in_specs=[
        pl.BlockSpec(memory_space=pltpu.SMEM),
        pl.BlockSpec((R, IN, OUT), lambda r: (0, 0, 0)),
        pl.BlockSpec((N, IN), lambda r: (0, 0)),
        pl.BlockSpec((EROW, 128), lambda r: (0, 0)),
        pl.BlockSpec((1, EROW, 128), lambda r: (0, 0, 0)),
    ],
    out_specs=(
        pl.BlockSpec((N, OUT), lambda r: (r, 0)),
        pl.BlockSpec((EROW, 128), lambda r: (0, 0)),
    ),
    scratch_shapes=[pltpu.VMEM((N, IN), jnp.bfloat16)],
)


_mesh = plsc.VectorSubcoreMesh(
    core_axis_name="c", subcore_axis_name="s", num_cores=NC, num_subcores=NS
)


@functools.partial(
    pl.kernel,
    mesh=_mesh,
    out_type=jax.ShapeDtypeStruct((NC, NP, OUT), jnp.float32),
    scratch_types=[
        pltpu.VMEM_SHARED((NP, OUT), jnp.float32),
        pltpu.VMEM((EW,), jnp.int32),
        pltpu.VMEM((CH,), jnp.int32),
        pltpu.VMEM((CH,), jnp.int32),
        pltpu.VMEM((CH, OUT), jnp.float32),
        pltpu.VMEM((CH, OUT), jnp.float32),
        pltpu.VMEM((TAIL,), jnp.int32),
        pltpu.VMEM((TAIL, OUT), jnp.float32),
        pltpu.SemaphoreType.DMA,
        pltpu.SemaphoreType.DMA,
        pltpu.SemaphoreType.DMA,
        pltpu.SemaphoreType.DMA,
    ],
)
def _sc_agg(allt_hbm, edge_hbm, gidxf_hbm, out_hbm,
            agg_sh, gidx_v, ddst_a, ddst_b, rows_a, rows_b,
            tidx_v, trows_v, sem_a, sem_b, sem_sa, sem_sb):
    c = lax.axis_index("c")
    s = lax.axis_index("s")
    wid = c * NS + s
    eoff = wid * EW
    pltpu.sync_copy(gidxf_hbm.at[pl.ds(eoff, EW)], gidx_v)

    def _fire(k, rows_ref, ddst_ref, sem):
        pltpu.async_copy(
            allt_hbm.at[gidx_v.at[pl.ds(k * CH, CH)]], rows_ref, sem
        )
        pltpu.async_copy(
            edge_hbm.at[pl.ds(E + eoff + k * CH, CH)], ddst_ref, sem
        )

    def _wait(k, rows_ref, ddst_ref, sem):
        pltpu.make_async_copy(
            allt_hbm.at[gidx_v.at[pl.ds(k * CH, CH)]], rows_ref, sem
        ).wait()
        pltpu.make_async_copy(
            edge_hbm.at[pl.ds(E + eoff + k * CH, CH)], ddst_ref, sem
        ).wait()

    zv = jnp.zeros((16,), jnp.float32)

    def _zero(i, carry):
        for j in range(OUT // 16):
            rows_a[i, pl.ds(j * 16, 16)] = zv
        return carry

    lax.fori_loop(0, CH, _zero, 0)
    roff = s * RPT
    for i in range(RPT // CH):
        pltpu.sync_copy(rows_a, agg_sh.at[pl.ds(roff + i * CH, CH)])

    _fire(0, rows_a, ddst_a, sem_a)
    _fire(1, rows_b, ddst_b, sem_b)

    plsc.subcore_barrier()

    def _pair(t, carry):
        ka = 2 * t
        kb = 2 * t + 1
        _wait(ka, rows_a, ddst_a, sem_a)
        pltpu.async_copy(rows_a, agg_sh.at[ddst_a], sem_sa, add=True)
        _wait(kb, rows_b, ddst_b, sem_b)
        pltpu.async_copy(rows_b, agg_sh.at[ddst_b], sem_sb, add=True)
        pltpu.make_async_copy(rows_a, agg_sh.at[ddst_a], sem_sa).wait()

        @pl.when(t < NFULL // 2 - 1)
        def _():
            _fire(ka + 2, rows_a, ddst_a, sem_a)

        pltpu.make_async_copy(rows_b, agg_sh.at[ddst_b], sem_sb).wait()

        @pl.when(t < NFULL // 2 - 1)
        def _():
            _fire(kb + 2, rows_b, ddst_b, sem_b)

        return carry

    lax.fori_loop(0, NFULL // 2, _pair, 0)

    tbase = NFULL * CH
    cpt = pltpu.async_copy(
        allt_hbm.at[gidx_v.at[pl.ds(tbase, TAIL)]], trows_v, sem_a
    )
    pltpu.sync_copy(edge_hbm.at[pl.ds(E + eoff + tbase, TAIL)], tidx_v)
    cpt.wait()
    pltpu.sync_copy(trows_v, agg_sh.at[tidx_v], add=True)

    plsc.subcore_barrier()
    pltpu.sync_copy(agg_sh.at[pl.ds(roff, RPT)],
                    out_hbm.at[c, pl.ds(roff, RPT)])


def _selfloop_body(h_ref, lw_ref, o_ref):
    o_ref[...] = jnp.dot(
        h_ref[...], lw_ref[...], preferred_element_type=jnp.float32
    )


SBLK = 5000

_selfloop = pl.pallas_call(
    _selfloop_body,
    grid=(N // SBLK,),
    out_shape=jax.ShapeDtypeStruct((N, OUT), jnp.float32),
    in_specs=[
        pl.BlockSpec((SBLK, IN), lambda nb: (nb, 0)),
        pl.BlockSpec((IN, OUT), lambda nb: (0, 0)),
    ],
    out_specs=pl.BlockSpec((SBLK, OUT), lambda nb: (nb, 0)),
)


def _final_body(p_ref, sl_ref, b_ref, g_ref, be_ref, o_ref):
    x = p_ref[0] + p_ref[1] + sl_ref[...] + b_ref[...]
    mu = jnp.mean(x, axis=1, keepdims=True)
    xc = x - mu
    var = jnp.mean(xc * xc, axis=1, keepdims=True)
    y = xc * lax.rsqrt(var + 1e-5) * g_ref[...] + be_ref[...]
    o_ref[...] = jnp.maximum(y, 0.0)


FBLK = 5000
FGRID = N // FBLK

_final = pl.pallas_call(
    _final_body,
    grid=(FGRID,),
    out_shape=jax.ShapeDtypeStruct((N, OUT), jnp.float32),
    in_specs=[
        pl.BlockSpec((NC, FBLK, OUT), lambda nb: (0, nb, 0)),
        pl.BlockSpec((FBLK, OUT), lambda nb: (nb, 0)),
        pl.BlockSpec((1, OUT), lambda nb: (0, 0)),
        pl.BlockSpec((1, OUT), lambda nb: (0, 0)),
        pl.BlockSpec((1, OUT), lambda nb: (0, 0)),
    ],
    out_specs=pl.BlockSpec((FBLK, OUT), lambda nb: (nb, 0)),
)


def kernel(h, edge_index, edge_type, basis, w_comp, loop_weight, bias,
           ln_gamma, ln_beta):
    edge_flat = edge_index.reshape(2 * E)
    src2d = edge_flat.reshape(2, EROW, 128)
    typ2d = edge_type.reshape(EROW, 128)
    allt2d, gidx2d = _transform(w_comp, basis, h, typ2d, src2d)
    selfloop = _selfloop(h, loop_weight)
    parts = _sc_agg(allt2d, edge_flat, gidx2d.reshape(E))
    return _final(
        parts,
        selfloop,
        bias.reshape(1, OUT),
        ln_gamma.reshape(1, OUT),
        ln_beta.reshape(1, OUT),
    )

# --- scband reference (transcript-rebuilt; emitter-appended) ---
"""Pipeline reference for scband-gated-rgcnlayer-62216896250262 (READ-ONLY COPY).

The authoritative reference and input builder live on the scoring server;
editing this copy changes nothing except your own understanding.
"""

import jax, jax.numpy as jnp
import numpy as np

N = 10000
E = 320000
IN = 128
OUT = 128
R = 8


def setup_inputs(seed: int = 0) -> dict:
    key = jax.random.key(seed)
    ks = jax.random.split(key, 8)
    h = jax.random.normal(ks[0], (N, IN), dtype=jnp.float32)
    edge_index = jax.random.randint(ks[1], (2, E), 0, N, dtype=jnp.int32)
    edge_type = jax.random.randint(ks[2], (E,), 0, R, dtype=jnp.int32)
    # RelGraphConv basis regularizer with num_bases=None -> num_bases=num_rels
    basis = jax.random.normal(ks[3], (R, IN, OUT), dtype=jnp.float32) * (1.0 / np.sqrt(IN))
    w_comp = jax.random.normal(ks[4], (R, R), dtype=jnp.float32) * (1.0 / np.sqrt(R))
    loop_weight = jax.random.normal(ks[5], (IN, OUT), dtype=jnp.float32) * (1.0 / np.sqrt(IN))
    bias = jnp.zeros((OUT,), dtype=jnp.float32)
    ln_gamma = jnp.ones((OUT,), dtype=jnp.float32)
    ln_beta = jnp.zeros((OUT,), dtype=jnp.float32)
    return {
        "h": h,
        "edge_index": edge_index,
        "edge_type": edge_type,
        "basis": basis,
        "w_comp": w_comp,
        "loop_weight": loop_weight,
        "bias": bias,
        "ln_gamma": ln_gamma,
        "ln_beta": ln_beta,
    }


def reference(h, edge_index, edge_type, basis, w_comp, loop_weight, bias, ln_gamma, ln_beta):
    # Compose per-relation weights from basis decomposition: W_r = sum_b a_{rb} V_b
    W = jnp.einsum('rb,bio->rio', w_comp, basis)            # [R, IN, OUT]
    # Low-mem RGCN path (math identical to per-edge h_src @ W_{etype}):
    # pre-transform node features under every relation, then gather per edge.
    all_t = jnp.einsum('ni,rio->rno', h, W)                  # [R, N, OUT]
    src = edge_index[0]
    dst = edge_index[1]
    msg = all_t[edge_type, src]                              # [E, OUT] gather
    agg = jax.ops.segment_sum(msg, dst, num_segments=h.shape[0])  # scatter-add
    out = agg + h @ loop_weight + bias                       # self-loop + bias
    # LayerNorm
    mu = jnp.mean(out, axis=-1, keepdims=True)
    var = jnp.var(out, axis=-1, keepdims=True)
    out = (out - mu) / jnp.sqrt(var + 1e-5) * ln_gamma + ln_beta
    # activation (relu); dropout=0.0 is identity
    return jax.nn.relu(out)

if __name__ == "__main__":
    import jax
    _d = setup_inputs()
    print(jax.jit(kernel)(*tuple(_d.values())))

</pallas_src>

<mosaic_0001>
#map = affine_map<(d0, d1) -> (0, 0)>
#map1 = affine_map<(d0, d1) -> (0)>
#map2 = affine_map<(d0, d1) -> (0, 0, 0)>
module attributes {stable_mosaic.version = 14 : i64} {
  func.func @_sc_agg(%arg0: i32, %arg1: i32, %arg2: memref<80000x128xf32, #tpu.memory_space<hbm>>, %arg3: memref<640000xi32, #tpu.memory_space<hbm>>, %arg4: memref<320000xi32, #tpu.memory_space<hbm>>, %arg5: memref<2x10240x128xf32, #tpu.memory_space<hbm>>, %arg6: memref<10240x128xf32, #tpu.memory_space<vmem_shared>>, %arg7: memref<10000xi32, #tpu.memory_space<vmem>>, %arg8: memref<128xi32, #tpu.memory_space<vmem>>, %arg9: memref<128xi32, #tpu.memory_space<vmem>>, %arg10: memref<128x128xf32, #tpu.memory_space<vmem>>, %arg11: memref<128x128xf32, #tpu.memory_space<vmem>>, %arg12: memref<16xi32, #tpu.memory_space<vmem>>, %arg13: memref<16x128xf32, #tpu.memory_space<vmem>>, %arg14: memref<!tpu.dma_semaphore, #tpu.memory_space<semaphore_mem>>, %arg15: memref<!tpu.dma_semaphore, #tpu.memory_space<semaphore_mem>>, %arg16: memref<!tpu.dma_semaphore, #tpu.memory_space<semaphore_mem>>, %arg17: memref<!tpu.dma_semaphore, #tpu.memory_space<semaphore_mem>>) attributes {dimension_semantics = [#tpu.dimension_semantics<core_parallel>, #tpu.dimension_semantics<subcore_parallel>], iteration_bounds = array<i64: 2, 16>, scalar_prefetch = 0 : i64, scratch_operands = 12 : i64, tpu.core_type = #tpu.core_type<sc_vector_subcore>, window_params = [{transform_indices = #map}, {transform_indices = #map1}, {transform_indices = #map1}, {transform_indices = #map2}]} {
    %mul3A = arith.constant 16 : i32
    %mul3A_0 = arith.muli %arg0, %mul3A : i32
    %add3A = arith.addi %mul3A_0, %arg1 : i32
    %mul3A_1 = arith.constant 10000 : i32
    %mul3A_2 = arith.muli %add3A, %mul3A_1 : i32
    "tpu.region"() ({
      %run_scoped3A = tpu.sem_alloc : memref<!tpu.dma_semaphore, #tpu.memory_space<semaphore_mem>>
      %dma_start3A_62 = tpu.memref_slice %arg4[%mul3A_2] : memref<320000xi32, #tpu.memory_space<hbm>> -> memref<10000xi32, #tpu.memory_space<hbm>>
      %dma_start3A_63 = tpu.memref_slice %arg4[%mul3A_2] : memref<320000xi32, #tpu.memory_space<hbm>> -> memref<10000xi32, #tpu.memory_space<hbm>>
      tpu.enqueue_dma source(%dma_start3A_63 : memref<10000xi32, #tpu.memory_space<hbm>>) target(%arg7 : memref<10000xi32, #tpu.memory_space<vmem>>) target_semaphore(%run_scoped3A : memref<!tpu.dma_semaphore, #tpu.memory_space<semaphore_mem>>)
      %dma_wait3A_64 = tpu.memref_slice %arg4[%mul3A_2] : memref<320000xi32, #tpu.memory_space<hbm>> -> memref<10000xi32, #tpu.memory_space<hbm>>
      %dma_wait3A_65 = tpu.memref_slice %arg4[%mul3A_2] : memref<320000xi32, #tpu.memory_space<hbm>> -> memref<10000xi32, #tpu.memory_space<hbm>>
      tpu.wait_dma2 semaphore(%run_scoped3A : memref<!tpu.dma_semaphore, #tpu.memory_space<semaphore_mem>>) src(%dma_wait3A_65 : memref<10000xi32, #tpu.memory_space<hbm>>) dst(%arg7 : memref<10000xi32, #tpu.memory_space<vmem>>)
      tpu.yield
    }) : () -> ()
    %broadcast_in_dim3A = arith.constant 0.000000e+00 : f32
    %broadcast_in_dim3A_3 = vector.broadcast %broadcast_in_dim3A : f32 to vector<16xf32>
    %scan3A = arith.constant 0 : i32
    %scan3A_4 = arith.constant 0 : i32
    %scan3A_5 = arith.constant 128 : i32
    %scan3A_6 = arith.addi %scan3A_4, %scan3A_5 : i32
    %scan3A_7 = arith.constant 1 : i32
    scf.for %scan3A_62 = %scan3A_4 to %scan3A_6 step %scan3A_7  : i32 {
      %swap3A = arith.index_cast %scan3A_62 : i32 to index
      %swap3A_63 = arith.constant 0 : index
      %swap3A_64 = tpu.vector_load %arg10[%swap3A, %swap3A_63] {strides = array<i32>} : memref<128x128xf32, #tpu.memory_space<vmem>>, vector<1x16xf32>,
      %swap3A_65 = vector.shape_cast %swap3A_64 : vector<1x16xf32> to vector<16xf32>
      %swap3A_66 = vector.shape_cast %broadcast_in_dim3A_3 : vector<16xf32> to vector<1x16xf32>
      tpu.vector_store %arg10[%swap3A, %swap3A_63], %swap3A_66 {strides = array<i32>} : memref<128x128xf32, #tpu.memory_space<vmem>>, vector<1x16xf32>,
      %swap3A_67 = arith.index_cast %scan3A_62 : i32 to index
      %swap3A_68 = arith.constant 16 : index
      %swap3A_69 = tpu.vector_load %arg10[%swap3A_67, %swap3A_68] {strides = array<i32>} : memref<128x128xf32, #tpu.memory_space<vmem>>, vector<1x16xf32>,
      %swap3A_70 = vector.shape_cast %swap3A_69 : vector<1x16xf32> to vector<16xf32>
      %swap3A_71 = vector.shape_cast %broadcast_in_dim3A_3 : vector<16xf32> to vector<1x16xf32>
      tpu.vector_store %arg10[%swap3A_67, %swap3A_68], %swap3A_71 {strides = array<i32>} : memref<128x128xf32, #tpu.memory_space<vmem>>, vector<1x16xf32>,
      %swap3A_72 = arith.index_cast %scan3A_62 : i32 to index
      %swap3A_73 = arith.constant 32 : index
      %swap3A_74 = tpu.vector_load %arg10[%swap3A_72, %swap3A_73] {strides = array<i32>} : memref<128x128xf32, #tpu.memory_space<vmem>>, vector<1x16xf32>,
      %swap3A_75 = vector.shape_cast %swap3A_74 : vector<1x16xf32> to vector<16xf32>
      %swap3A_76 = vector.shape_cast %broadcast_in_dim3A_3 : vector<16xf32> to vector<1x16xf32>
      tpu.vector_store %arg10[%swap3A_72, %swap3A_73], %swap3A_76 {strides = array<i32>} : memref<128x128xf32, #tpu.memory_space<vmem>>, vector<1x16xf32>,
      %swap3A_77 = arith.index_cast %scan3A_62 : i32 to index
      %swap3A_78 = arith.constant 48 : index
      %swap3A_79 = tpu.vector_load %arg10[%swap3A_77, %swap3A_78] {strides = array<i32>} : memref<128x128xf32, #tpu.memory_space<vmem>>, vector<1x16xf32>,
      %swap3A_80 = vector.shape_cast %swap3A_79 : vector<1x16xf32> to vector<16xf32>
      %swap3A_81 = vector.shape_cast %broadcast_in_dim3A_3 : vector<16xf32> to vector<1x16xf32>
      tpu.vector_store %arg10[%swap3A_77, %swap3A_78], %swap3A_81 {strides = array<i32>} : memref<128x128xf32, #tpu.memory_space<vmem>>, vector<1x16xf32>,
      %swap3A_82 = arith.index_cast %scan3A_62 : i32 to index
      %swap3A_83 = arith.constant 64 : index
      %swap3A_84 = tpu.vector_load %arg10[%swap3A_82, %swap3A_83] {strides = array<i32>} : memref<128x128xf32, #tpu.memory_space<vmem>>, vector<1x16xf32>,
      %swap3A_85 = vector.shape_cast %swap3A_84 : vector<1x16xf32> to vector<16xf32>
      %swap3A_86 = vector.shape_cast %broadcast_in_dim3A_3 : vector<16xf32> to vector<1x16xf32>
      tpu.vector_store %arg10[%swap3A_82, %swap3A_83], %swap3A_86 {strides = array<i32>} : memref<128x128xf32, #tpu.memory_space<vmem>>, vector<1x16xf32>,
      %swap3A_87 = arith.index_cast %scan3A_62 : i32 to index
      %swap3A_88 = arith.constant 80 : index
      %swap3A_89 = tpu.vector_load %arg10[%swap3A_87, %swap3A_88] {strides = array<i32>} : memref<128x128xf32, #tpu.memory_space<vmem>>, vector<1x16xf32>,
      %swap3A_90 = vector.shape_cast %swap3A_89 : vector<1x16xf32> to vector<16xf32>
      %swap3A_91 = vector.shape_cast %broadcast_in_dim3A_3 : vector<16xf32> to vector<1x16xf32>
      tpu.vector_store %arg10[%swap3A_87, %swap3A_88], %swap3A_91 {strides = array<i32>} : memref<128x128xf32, #tpu.memory_space<vmem>>, vector<1x16xf32>,
      %swap3A_92 = arith.index_cast %scan3A_62 : i32 to index
      %swap3A_93 = arith.constant 96 : index
      %swap3A_94 = tpu.vector_load %arg10[%swap3A_92, %swap3A_93] {strides = array<i32>} : memref<128x128xf32, #tpu.memory_space<vmem>>, vector<1x16xf32>,
      %swap3A_95 = vector.shape_cast %swap3A_94 : vector<1x16xf32> to vector<16xf32>
      %swap3A_96 = vector.shape_cast %broadcast_in_dim3A_3 : vector<16xf32> to vector<1x16xf32>
      tpu.vector_store %arg10[%swap3A_92, %swap3A_93], %swap3A_96 {strides = array<i32>} : memref<128x128xf32, #tpu.memory_space<vmem>>, vector<1x16xf32>,
      %swap3A_97 = arith.index_cast %scan3A_62 : i32 to index
      %swap3A_98 = arith.constant 112 : index
      %swap3A_99 = tpu.vector_load %arg10[%swap3A_97, %swap3A_98] {strides = array<i32>} : memref<128x128xf32, #tpu.memory_space<vmem>>, vector<1x16xf32>,
      %swap3A_100 = vector.shape_cast %swap3A_99 : vector<1x16xf32> to vector<16xf32>
      %swap3A_101 = vector.shape_cast %broadcast_in_dim3A_3 : vector<16xf32> to vector<1x16xf32>
      tpu.vector_store %arg10[%swap3A_97, %swap3A_98], %swap3A_101 {strides = array<i32>} : memref<128x128xf32, #tpu.memory_space<vmem>>, vector<1x16xf32>,
    }
    %scan3A_8 = arith.constant 128 : i32
    %mul3A_9 = arith.constant 640 : i32
    %mul3A_10 = arith.muli %arg1, %mul3A_9 : i32
    %add3A_11 = arith.constant 0 : i32
    %add3A_12 = arith.addi %mul3A_10, %add3A_11 : i32
    "tpu.region"() ({
      %run_scoped3A = tpu.sem_alloc : memref<!tpu.dma_semaphore, #tpu.memory_space<semaphore_mem>>
      %dma_start3A_62 = arith.constant 0 : i32
      %dma_start3A_63 = tpu.memref_slice %arg6[%add3A_12, %dma_start3A_62] : memref<10240x128xf32, #tpu.memory_space<vmem_shared>> -> memref<128x128xf32, #tpu.memory_space<vmem_shared>>
      %dma_start3A_64 = arith.constant 0 : i32
      %dma_start3A_65 = tpu.memref_slice %arg6[%add3A_12, %dma_start3A_64] : memref<10240x128xf32, #tpu.memory_space<vmem_shared>> -> memref<128x128xf32, #tpu.memory_space<vmem_shared>>
      tpu.enqueue_dma source(%arg10 : memref<128x128xf32, #tpu.memory_space<vmem>>) target(%dma_start3A_65 : memref<128x128xf32, #tpu.memory_space<vmem_shared>>) target_semaphore(%run_scoped3A : memref<!tpu.dma_semaphore, #tpu.memory_space<semaphore_mem>>)
      %dma_wait3A_66 = arith.constant 0 : i32
      %dma_wait3A_67 = tpu.memref_slice %arg6[%add3A_12, %dma_wait3A_66] : memref<10240x128xf32, #tpu.memory_space<vmem_shared>> -> memref<128x128xf32, #tpu.memory_space<vmem_shared>>
      %dma_wait3A_68 = arith.constant 0 : i32
      %dma_wait3A_69 = tpu.memref_slice %arg6[%add3A_12, %dma_wait3A_68] : memref<10240x128xf32, #tpu.memory_space<vmem_shared>> -> memref<128x128xf32, #tpu.memory_space<vmem_shared>>
      tpu.wait_dma2 semaphore(%run_scoped3A : memref<!tpu.dma_semaphore, #tpu.memory_space<semaphore_mem>>) src(%arg10 : memref<128x128xf32, #tpu.memory_space<vmem>>) dst(%dma_wait3A_69 : memref<128x128xf32, #tpu.memory_space<vmem_shared>>)
      tpu.yield
    }) : () -> ()
    %add3A_13 = arith.constant 128 : i32
    %add3A_14 = arith.addi %mul3A_10, %add3A_13 : i32
    "tpu.region"() ({
      %run_scoped3A = tpu.sem_alloc : memref<!tpu.dma_semaphore, #tpu.memory_space<semaphore_mem>>
      %dma_start3A_62 = arith.constant 0 : i32
      %dma_start3A_63 = tpu.memref_slice %arg6[%add3A_14, %dma_start3A_62] : memref<10240x128xf32, #tpu.memory_space<vmem_shared>> -> memref<128x128xf32, #tpu.memory_space<vmem_shared>>
      %dma_start3A_64 = arith.constant 0 : i32
      %dma_start3A_65 = tpu.memref_slice %arg6[%add3A_14, %dma_start3A_64] : memref<10240x128xf32, #tpu.memory_space<vmem_shared>> -> memref<128x128xf32, #tpu.memory_space<vmem_shared>>
      tpu.enqueue_dma source(%arg10 : memref<128x128xf32, #tpu.memory_space<vmem>>) target(%dma_start3A_65 : memref<128x128xf32, #tpu.memory_space<vmem_shared>>) target_semaphore(%run_scoped3A : memref<!tpu.dma_semaphore, #tpu.memory_space<semaphore_mem>>)
      %dma_wait3A_66 = arith.constant 0 : i32
      %dma_wait3A_67 = tpu.memref_slice %arg6[%add3A_14, %dma_wait3A_66] : memref<10240x128xf32, #tpu.memory_space<vmem_shared>> -> memref<128x128xf32, #tpu.memory_space<vmem_shared>>
      %dma_wait3A_68 = arith.constant 0 : i32
      %dma_wait3A_69 = tpu.memref_slice %arg6[%add3A_14, %dma_wait3A_68] : memref<10240x128xf32, #tpu.memory_space<vmem_shared>> -> memref<128x128xf32, #tpu.memory_space<vmem_shared>>
      tpu.wait_dma2 semaphore(%run_scoped3A : memref<!tpu.dma_semaphore, #tpu.memory_space<semaphore_mem>>) src(%arg10 : memref<128x128xf32, #tpu.memory_space<vmem>>) dst(%dma_wait3A_69 : memref<128x128xf32, #tpu.memory_space<vmem_shared>>)
      tpu.yield
    }) : () -> ()
    %add3A_15 = arith.constant 256 : i32
    %add3A_16 = arith.addi %mul3A_10, %add3A_15 : i32
    "tpu.region"() ({
      %run_scoped3A = tpu.sem_alloc : memref<!tpu.dma_semaphore, #tpu.memory_space<semaphore_mem>>
      %dma_start3A_62 = arith.constant 0 : i32
      %dma_start3A_63 = tpu.memref_slice %arg6[%add3A_16, %dma_start3A_62] : memref<10240x128xf32, #tpu.memory_space<vmem_shared>> -> memref<128x128xf32, #tpu.memory_space<vmem_shared>>
      %dma_start3A_64 = arith.constant 0 : i32
      %dma_start3A_65 = tpu.memref_slice %arg6[%add3A_16, %dma_start3A_64] : memref<10240x128xf32, #tpu.memory_space<vmem_shared>> -> memref<128x128xf32, #tpu.memory_space<vmem_shared>>
      tpu.enqueue_dma source(%arg10 : memref<128x128xf32, #tpu.memory_space<vmem>>) target(%dma_start3A_65 : memref<128x128xf32, #tpu.memory_space<vmem_shared>>) target_semaphore(%run_scoped3A : memref<!tpu.dma_semaphore, #tpu.memory_space<semaphore_mem>>)
      %dma_wait3A_66 = arith.constant 0 : i32
      %dma_wait3A_67 = tpu.memref_slice %arg6[%add3A_16, %dma_wait3A_66] : memref<10240x128xf32, #tpu.memory_space<vmem_shared>> -> memref<128x128xf32, #tpu.memory_space<vmem_shared>>
      %dma_wait3A_68 = arith.constant 0 : i32
      %dma_wait3A_69 = tpu.memref_slice %arg6[%add3A_16, %dma_wait3A_68] : memref<10240x128xf32, #tpu.memory_space<vmem_shared>> -> memref<128x128xf32, #tpu.memory_space<vmem_shared>>
      tpu.wait_dma2 semaphore(%run_scoped3A : memref<!tpu.dma_semaphore, #tpu.memory_space<semaphore_mem>>) src(%arg10 : memref<128x128xf32, #tpu.memory_space<vmem>>) dst(%dma_wait3A_69 : memref<128x128xf32, #tpu.memory_space<vmem_shared>>)
      tpu.yield
    }) : () -> ()
    %add3A_17 = arith.constant 384 : i32
    %add3A_18 = arith.addi %mul3A_10, %add3A_17 : i32
    "tpu.region"() ({
      %run_scoped3A = tpu.sem_alloc : memref<!tpu.dma_semaphore, #tpu.memory_space<semaphore_mem>>
      %dma_start3A_62 = arith.constant 0 : i32
      %dma_start3A_63 = tpu.memref_slice %arg6[%add3A_18, %dma_start3A_62] : memref<10240x128xf32, #tpu.memory_space<vmem_shared>> -> memref<128x128xf32, #tpu.memory_space<vmem_shared>>
      %dma_start3A_64 = arith.constant 0 : i32
      %dma_start3A_65 = tpu.memref_slice %arg6[%add3A_18, %dma_start3A_64] : memref<10240x128xf32, #tpu.memory_space<vmem_shared>> -> memref<128x128xf32, #tpu.memory_space<vmem_shared>>
      tpu.enqueue_dma source(%arg10 : memref<128x128xf32, #tpu.memory_space<vmem>>) target(%dma_start3A_65 : memref<128x128xf32, #tpu.memory_space<vmem_shared>>) target_semaphore(%run_scoped3A : memref<!tpu.dma_semaphore, #tpu.memory_space<semaphore_mem>>)
      %dma_wait3A_66 = arith.constant 0 : i32
      %dma_wait3A_67 = tpu.memref_slice %arg6[%add3A_18, %dma_wait3A_66] : memref<10240x128xf32, #tpu.memory_space<vmem_shared>> -> memref<128x128xf32, #tpu.memory_space<vmem_shared>>
      %dma_wait3A_68 = arith.constant 0 : i32
      %dma_wait3A_69 = tpu.memref_slice %arg6[%add3A_18, %dma_wait3A_68] : memref<10240x128xf32, #tpu.memory_space<vmem_shared>> -> memref<128x128xf32, #tpu.memory_space<vmem_shared>>
      tpu.wait_dma2 semaphore(%run_scoped3A : memref<!tpu.dma_semaphore, #tpu.memory_space<semaphore_mem>>) src(%arg10 : memref<128x128xf32, #tpu.memory_space<vmem>>) dst(%dma_wait3A_69 : memref<128x128xf32, #tpu.memory_space<vmem_shared>>)
      tpu.yield
    }) : () -> ()
    %add3A_19 = arith.constant 512 : i32
    %add3A_20 = arith.addi %mul3A_10, %add3A_19 : i32
    "tpu.region"() ({
      %run_scoped3A = tpu.sem_alloc : memref<!tpu.dma_semaphore, #tpu.memory_space<semaphore_mem>>
      %dma_start3A_62 = arith.constant 0 : i32
      %dma_start3A_63 = tpu.memref_slice %arg6[%add3A_20, %dma_start3A_62] : memref<10240x128xf32, #tpu.memory_space<vmem_shared>> -> memref<128x128xf32, #tpu.memory_space<vmem_shared>>
      %dma_start3A_64 = arith.constant 0 : i32
      %dma_start3A_65 = tpu.memref_slice %arg6[%add3A_20, %dma_start3A_64] : memref<10240x128xf32, #tpu.memory_space<vmem_shared>> -> memref<128x128xf32, #tpu.memory_space<vmem_shared>>
      tpu.enqueue_dma source(%arg10 : memref<128x128xf32, #tpu.memory_space<vmem>>) target(%dma_start3A_65 : memref<128x128xf32, #tpu.memory_space<vmem_shared>>) target_semaphore(%run_scoped3A : memref<!tpu.dma_semaphore, #tpu.memory_space<semaphore_mem>>)
      %dma_wait3A_66 = arith.constant 0 : i32
      %dma_wait3A_67 = tpu.memref_slice %arg6[%add3A_20, %dma_wait3A_66] : memref<10240x128xf32, #tpu.memory_space<vmem_shared>> -> memref<128x128xf32, #tpu.memory_space<vmem_shared>>
      %dma_wait3A_68 = arith.constant 0 : i32
      %dma_wait3A_69 = tpu.memref_slice %arg6[%add3A_20, %dma_wait3A_68] : memref<10240x128xf32, #tpu.memory_space<vmem_shared>> -> memref<128x128xf32, #tpu.memory_space<vmem_shared>>
      tpu.wait_dma2 semaphore(%run_scoped3A : memref<!tpu.dma_semaphore, #tpu.memory_space<semaphore_mem>>) src(%arg10 : memref<128x128xf32, #tpu.memory_space<vmem>>) dst(%dma_wait3A_69 : memref<128x128xf32, #tpu.memory_space<vmem_shared>>)
      tpu.yield
    }) : () -> ()
    %dma_start3A = arith.constant 0 : i32
    %dma_start3A_21 = tpu.memref_slice %arg7[%dma_start3A] : memref<10000xi32, #tpu.memory_space<vmem>> -> memref<128xi32, #tpu.memory_space<vmem>>
    %dma_start3A_22 = arith.constant 0 : i32
    %dma_start3A_23 = arith.constant 0 : i32
    %dma_start3A_24 = tpu.memref_slice %arg2[%dma_start3A_22, %dma_start3A_23] : memref<80000x128xf32, #tpu.memory_space<hbm>> -> memref<80000x128xf32, #tpu.memory_space<hbm>>
    tpu.enqueue_indirect_dma source(%dma_start3A_24 : memref<80000x128xf32, #tpu.memory_space<hbm>>) target(%arg10 : memref<128x128xf32, #tpu.memory_space<vmem>>) offsets(%dma_start3A_21 : memref<128xi32, #tpu.memory_space<vmem>>) semaphore(%arg14 : memref<!tpu.dma_semaphore, #tpu.memory_space<semaphore_mem>>)
    %add3A_25 = arith.constant 320000 : i32
    %add3A_26 = arith.addi %add3A_25, %mul3A_2 : i32
    %add3A_27 = arith.constant 0 : i32
    %add3A_28 = arith.addi %add3A_26, %add3A_27 : i32
    %dma_start3A_29 = tpu.memref_slice %arg3[%add3A_28] : memref<640000xi32, #tpu.memory_space<hbm>> -> memref<128xi32, #tpu.memory_space<hbm>>
    %dma_start3A_30 = tpu.memref_slice %arg3[%add3A_28] : memref<640000xi32, #tpu.memory_space<hbm>> -> memref<128xi32, #tpu.memory_space<hbm>>
    tpu.enqueue_dma source(%dma_start3A_30 : memref<128xi32, #tpu.memory_space<hbm>>) target(%arg8 : memref<128xi32, #tpu.memory_space<vmem>>) target_semaphore(%arg14 : memref<!tpu.dma_semaphore, #tpu.memory_space<semaphore_mem>>)
    %dma_start3A_31 = arith.constant 128 : i32
    %dma_start3A_32 = tpu.memref_slice %arg7[%dma_start3A_31] : memref<10000xi32, #tpu.memory_space<vmem>> -> memref<128xi32, #tpu.memory_space<vmem>>
    %dma_start3A_33 = arith.constant 0 : i32
    %dma_start3A_34 = arith.constant 0 : i32
    %dma_start3A_35 = tpu.memref_slice %arg2[%dma_start3A_33, %dma_start3A_34] : memref<80000x128xf32, #tpu.memory_space<hbm>> -> memref<80000x128xf32, #tpu.memory_space<hbm>>
    tpu.enqueue_indirect_dma source(%dma_start3A_35 : memref<80000x128xf32, #tpu.memory_space<hbm>>) target(%arg11 : memref<128x128xf32, #tpu.memory_space<vmem>>) offsets(%dma_start3A_32 : memref<128xi32, #tpu.memory_space<vmem>>) semaphore(%arg15 : memref<!tpu.dma_semaphore, #tpu.memory_space<semaphore_mem>>)
    %add3A_36 = arith.constant 320000 : i32
    %add3A_37 = arith.addi %add3A_36, %mul3A_2 : i32
    %add3A_38 = arith.constant 128 : i32
    %add3A_39 = arith.addi %add3A_37, %add3A_38 : i32
    %dma_start3A_40 = tpu.memref_slice %arg3[%add3A_39] : memref<640000xi32, #tpu.memory_space<hbm>> -> memref<128xi32, #tpu.memory_space<hbm>>
    %dma_start3A_41 = tpu.memref_slice %arg3[%add3A_39] : memref<640000xi32, #tpu.memory_space<hbm>> -> memref<128xi32, #tpu.memory_space<hbm>>
    tpu.enqueue_dma source(%dma_start3A_41 : memref<128xi32, #tpu.memory_space<hbm>>) target(%arg9 : memref<128xi32, #tpu.memory_space<vmem>>) target_semaphore(%arg15 : memref<!tpu.dma_semaphore, #tpu.memory_space<semaphore_mem>>)
    %barrier3A = arith.constant 0 : index
    tpu.barrier barrier_id(%barrier3A)
    %scan3A_42 = arith.constant 0 : i32
    %scan3A_43 = arith.constant 0 : i32
    %scan3A_44 = arith.constant 39 : i32
    %scan3A_45 = arith.addi %scan3A_43, %scan3A_44 : i32
    %scan3A_46 = arith.constant 1 : i32
    scf.for %scan3A_62 = %scan3A_43 to %scan3A_45 step %scan3A_46  : i32 {
      %mul3A_63 = arith.constant 2 : i32
      %mul3A_64 = arith.muli %mul3A_63, %scan3A_62 : i32
      %mul3A_65 = arith.constant 2 : i32
      %mul3A_66 = arith.muli %mul3A_65, %scan3A_62 : i32
      %add3A_67 = arith.constant 1 : i32
      %add3A_68 = arith.addi %mul3A_66, %add3A_67 : i32
      %mul3A_69 = arith.constant 128 : i32
      %mul3A_70 = arith.muli %mul3A_64, %mul3A_69 : i32
      %dma_wait3A_71 = tpu.memref_slice %arg7[%mul3A_70] : memref<10000xi32, #tpu.memory_space<vmem>> -> memref<128xi32, #tpu.memory_space<vmem>>
      %dma_wait3A_72 = arith.constant 0 : i32
      %dma_wait3A_73 = arith.constant 0 : i32
      %dma_wait3A_74 = tpu.memref_slice %arg2[%dma_wait3A_72, %dma_wait3A_73] : memref<80000x128xf32, #tpu.memory_space<hbm>> -> memref<80000x128xf32, #tpu.memory_space<hbm>>
      tpu.wait_indirect_dma semaphore(%arg14 : memref<!tpu.dma_semaphore, #tpu.memory_space<semaphore_mem>>) src(%dma_wait3A_74 : memref<80000x128xf32, #tpu.memory_space<hbm>>) dst(%arg10 : memref<128x128xf32, #tpu.memory_space<vmem>>)
      %add3A_75 = arith.constant 320000 : i32
      %add3A_76 = arith.addi %add3A_75, %mul3A_2 : i32
      %mul3A_77 = arith.constant 128 : i32
      %mul3A_78 = arith.muli %mul3A_64, %mul3A_77 : i32
      %add3A_79 = arith.addi %add3A_76, %mul3A_78 : i32
      %dma_wait3A_80 = tpu.memref_slice %arg3[%add3A_79] : memref<640000xi32, #tpu.memory_space<hbm>> -> memref<128xi32, #tpu.memory_space<hbm>>
      %dma_wait3A_81 = tpu.memref_slice %arg3[%add3A_79] : memref<640000xi32, #tpu.memory_space<hbm>> -> memref<128xi32, #tpu.memory_space<hbm>>
      tpu.wait_dma2 semaphore(%arg14 : memref<!tpu.dma_semaphore, #tpu.memory_space<semaphore_mem>>) src(%dma_wait3A_81 : memref<128xi32, #tpu.memory_space<hbm>>) dst(%arg8 : memref<128xi32, #tpu.memory_space<vmem>>)
      %dma_start3A_82 = arith.constant 0 : i32
      %dma_start3A_83 = arith.constant 0 : i32
      %dma_start3A_84 = tpu.memref_slice %arg6[%dma_start3A_82, %dma_start3A_83] : memref<10240x128xf32, #tpu.memory_space<vmem_shared>> -> memref<10240x128xf32, #tpu.memory_space<vmem_shared>>
      tpu.enqueue_indirect_dma source(%arg10 : memref<128x128xf32, #tpu.memory_space<vmem>>) target(%dma_start3A_84 : memref<10240x128xf32, #tpu.memory_space<vmem_shared>>) offsets(%arg8 : memref<128xi32, #tpu.memory_space<vmem>>) semaphore(%arg16 : memref<!tpu.dma_semaphore, #tpu.memory_space<semaphore_mem>>) {add = true}
      %mul3A_85 = arith.constant 128 : i32
      %mul3A_86 = arith.muli %add3A_68, %mul3A_85 : i32
      %dma_wait3A_87 = tpu.memref_slice %arg7[%mul3A_86] : memref<10000xi32, #tpu.memory_space<vmem>> -> memref<128xi32, #tpu.memory_space<vmem>>
      %dma_wait3A_88 = arith.constant 0 : i32
      %dma_wait3A_89 = arith.constant 0 : i32
      %dma_wait3A_90 = tpu.memref_slice %arg2[%dma_wait3A_88, %dma_wait3A_89] : memref<80000x128xf32, #tpu.memory_space<hbm>> -> memref<80000x128xf32, #tpu.memory_space<hbm>>
      tpu.wait_indirect_dma semaphore(%arg15 : memref<!tpu.dma_semaphore, #tpu.memory_space<semaphore_mem>>) src(%dma_wait3A_90 : memref<80000x128xf32, #tpu.memory_space<hbm>>) dst(%arg11 : memref<128x128xf32, #tpu.memory_space<vmem>>)
      %add3A_91 = arith.constant 320000 : i32
      %add3A_92 = arith.addi %add3A_91, %mul3A_2 : i32
      %mul3A_93 = arith.constant 128 : i32
      %mul3A_94 = arith.muli %add3A_68, %mul3A_93 : i32
      %add3A_95 = arith.addi %add3A_92, %mul3A_94 : i32
      %dma_wait3A_96 = tpu.memref_slice %arg3[%add3A_95] : memref<640000xi32, #tpu.memory_space<hbm>> -> memref<128xi32, #tpu.memory_space<hbm>>
      %dma_wait3A_97 = tpu.memref_slice %arg3[%add3A_95] : memref<640000xi32, #tpu.memory_space<hbm>> -> memref<128xi32, #tpu.memory_space<hbm>>
      tpu.wait_dma2 semaphore(%arg15 : memref<!tpu.dma_semaphore, #tpu.memory_space<semaphore_mem>>) src(%dma_wait3A_97 : memref<128xi32, #tpu.memory_space<hbm>>) dst(%arg9 : memref<128xi32, #tpu.memory_space<vmem>>)
      %dma_start3A_98 = arith.constant 0 : i32
      %dma_start3A_99 = arith.constant 0 : i32
      %dma_start3A_100 = tpu.memref_slice %arg6[%dma_start3A_98, %dma_start3A_99] : memref<10240x128xf32, #tpu.memory_space<vmem_shared>> -> memref<10240x128xf32, #tpu.memory_space<vmem_shared>>
      tpu.enqueue_indirect_dma source(%arg11 : memref<128x128xf32, #tpu.memory_space<vmem>>) target(%dma_start3A_100 : memref<10240x128xf32, #tpu.memory_space<vmem_shared>>) offsets(%arg9 : memref<128xi32, #tpu.memory_space<vmem>>) semaphore(%arg17 : memref<!tpu.dma_semaphore, #tpu.memory_space<semaphore_mem>>) {add = true}
      %dma_wait3A_101 = arith.constant 0 : i32
      %dma_wait3A_102 = arith.constant 0 : i32
      %dma_wait3A_103 = tpu.memref_slice %arg6[%dma_wait3A_101, %dma_wait3A_102] : memref<10240x128xf32, #tpu.memory_space<vmem_shared>> -> memref<10240x128xf32, #tpu.memory_space<vmem_shared>>
      tpu.wait_indirect_dma semaphore(%arg16 : memref<!tpu.dma_semaphore, #tpu.memory_space<semaphore_mem>>) src(%arg10 : memref<128x128xf32, #tpu.memory_space<vmem>>) dst(%dma_wait3A_103 : memref<10240x128xf32, #tpu.memory_space<vmem_shared>>)
      %lt3A = arith.constant 38 : i32
      %lt3A_104 = arith.cmpi slt, %scan3A_62, %lt3A : i32
      %convert_element_type3A = arith.extui %lt3A_104 : i1 to i32
      %cond3A = arith.constant 0 : i32
      %cond3A_105 = arith.cmpi ne, %convert_element_type3A, %cond3A : i32
      scf.if %cond3A_105 {
        %add3A_114 = arith.constant 2 : i32
        %add3A_115 = arith.addi %mul3A_64, %add3A_114 : i32
        %mul3A_116 = arith.constant 128 : i32
        %mul3A_117 = arith.muli %add3A_115, %mul3A_116 : i32
        %dma_start3A_118 = tpu.memref_slice %arg7[%mul3A_117] : memref<10000xi32, #tpu.memory_space<vmem>> -> memref<128xi32, #tpu.memory_space<vmem>>
        %dma_start3A_119 = arith.constant 0 : i32
        %dma_start3A_120 = arith.constant 0 : i32
        %dma_start3A_121 = tpu.memref_slice %arg2[%dma_start3A_119, %dma_start3A_120] : memref<80000x128xf32, #tpu.memory_space<hbm>> -> memref<80000x128xf32, #tpu.memory_space<hbm>>
        tpu.enqueue_indirect_dma source(%dma_start3A_121 : memref<80000x128xf32, #tpu.memory_space<hbm>>) target(%arg10 : memref<128x128xf32, #tpu.memory_space<vmem>>) offsets(%dma_start3A_118 : memref<128xi32, #tpu.memory_space<vmem>>) semaphore(%arg14 : memref<!tpu.dma_semaphore, #tpu.memory_space<semaphore_mem>>)
        %add3A_122 = arith.constant 320000 : i32
        %add3A_123 = arith.addi %add3A_122, %mul3A_2 : i32
        %mul3A_124 = arith.constant 128 : i32
        %mul3A_125 = arith.muli %add3A_115, %mul3A_124 : i32
        %add3A_126 = arith.addi %add3A_123, %mul3A_125 : i32
        %dma_start3A_127 = tpu.memref_slice %arg3[%add3A_126] : memref<640000xi32, #tpu.memory_space<hbm>> -> memref<128xi32, #tpu.memory_space<hbm>>
        %dma_start3A_128 = tpu.memref_slice %arg3[%add3A_126] : memref<640000xi32, #tpu.memory_space<hbm>> -> memref<128xi32, #tpu.memory_space<hbm>>
        tpu.enqueue_dma source(%dma_start3A_128 : memref<128xi32, #tpu.memory_space<hbm>>) target(%arg8 : memref<128xi32, #tpu.memory_space<vmem>>) target_semaphore(%arg14 : memref<!tpu.dma_semaphore, #tpu.memory_space<semaphore_mem>>)
      } else {
      }
      %dma_wait3A_106 = arith.constant 0 : i32
      %dma_wait3A_107 = arith.constant 0 : i32
      %dma_wait3A_108 = tpu.memref_slice %arg6[%dma_wait3A_106, %dma_wait3A_107] : memref<10240x128xf32, #tpu.memory_space<vmem_shared>> -> memref<10240x128xf32, #tpu.memory_space<vmem_shared>>
      tpu.wait_indirect_dma semaphore(%arg17 : memref<!tpu.dma_semaphore, #tpu.memory_space<semaphore_mem>>) src(%arg11 : memref<128x128xf32, #tpu.memory_space<vmem>>) dst(%dma_wait3A_108 : memref<10240x128xf32, #tpu.memory_space<vmem_shared>>)
      %lt3A_109 = arith.constant 38 : i32
      %lt3A_110 = arith.cmpi slt, %scan3A_62, %lt3A_109 : i32
      %convert_element_type3A_111 = arith.extui %lt3A_110 : i1 to i32
      %cond3A_112 = arith.constant 0 : i32
      %cond3A_113 = arith.cmpi ne, %convert_element_type3A_111, %cond3A_112 : i32
      scf.if %cond3A_113 {
        %add3A_114 = arith.constant 2 : i32
        %add3A_115 = arith.addi %add3A_68, %add3A_114 : i32
        %mul3A_116 = arith.constant 128 : i32
        %mul3A_117 = arith.muli %add3A_115, %mul3A_116 : i32
        %dma_start3A_118 = tpu.memref_slice %arg7[%mul3A_117] : memref<10000xi32, #tpu.memory_space<vmem>> -> memref<128xi32, #tpu.memory_space<vmem>>
        %dma_start3A_119 = arith.constant 0 : i32
        %dma_start3A_120 = arith.constant 0 : i32
        %dma_start3A_121 = tpu.memref_slice %arg2[%dma_start3A_119, %dma_start3A_120] : memref<80000x128xf32, #tpu.memory_space<hbm>> -> memref<80000x128xf32, #tpu.memory_space<hbm>>
        tpu.enqueue_indirect_dma source(%dma_start3A_121 : memref<80000x128xf32, #tpu.memory_space<hbm>>) target(%arg11 : memref<128x128xf32, #tpu.memory_space<vmem>>) offsets(%dma_start3A_118 : memref<128xi32, #tpu.memory_space<vmem>>) semaphore(%arg15 : memref<!tpu.dma_semaphore, #tpu.memory_space<semaphore_mem>>)
        %add3A_122 = arith.constant 320000 : i32
        %add3A_123 = arith.addi %add3A_122, %mul3A_2 : i32
        %mul3A_124 = arith.constant 128 : i32
        %mul3A_125 = arith.muli %add3A_115, %mul3A_124 : i32
        %add3A_126 = arith.addi %add3A_123, %mul3A_125 : i32
        %dma_start3A_127 = tpu.memref_slice %arg3[%add3A_126] : memref<640000xi32, #tpu.memory_space<hbm>> -> memref<128xi32, #tpu.memory_space<hbm>>
        %dma_start3A_128 = tpu.memref_slice %arg3[%add3A_126] : memref<640000xi32, #tpu.memory_space<hbm>> -> memref<128xi32, #tpu.memory_space<hbm>>
        tpu.enqueue_dma source(%dma_start3A_128 : memref<128xi32, #tpu.memory_space<hbm>>) target(%arg9 : memref<128xi32, #tpu.memory_space<vmem>>) target_semaphore(%arg15 : memref<!tpu.dma_semaphore, #tpu.memory_space<semaphore_mem>>)
      } else {
      }
    }
    %scan3A_47 = arith.constant 39 : i32
    %dma_start3A_48 = arith.constant 9984 : i32
    %dma_start3A_49 = tpu.memref_slice %arg7[%dma_start3A_48] : memref<10000xi32, #tpu.memory_space<vmem>> -> memref<16xi32, #tpu.memory_space<vmem>>
    %dma_start3A_50 = arith.constant 0 : i32
    %dma_start3A_51 = arith.constant 0 : i32
    %dma_start3A_52 = tpu.memref_slice %arg2[%dma_start3A_50, %dma_start3A_51] : memref<80000x128xf32, #tpu.memory_space<hbm>> -> memref<80000x128xf32, #tpu.memory_space<hbm>>
    tpu.enqueue_indirect_dma source(%dma_start3A_52 : memref<80000x128xf32, #tpu.memory_space<hbm>>) target(%arg13 : memref<16x128xf32, #tpu.memory_space<vmem>>) offsets(%dma_start3A_49 : memref<16xi32, #tpu.memory_space<vmem>>) semaphore(%arg14 : memref<!tpu.dma_semaphore, #tpu.memory_space<semaphore_mem>>)
    %add3A_53 = arith.constant 320000 : i32
    %add3A_54 = arith.addi %add3A_53, %mul3A_2 : i32
    %add3A_55 = arith.constant 9984 : i32
    %add3A_56 = arith.addi %add3A_54, %add3A_55 : i32
    "tpu.region"() ({
      %run_scoped3A = tpu.sem_alloc : memref<!tpu.dma_semaphore, #tpu.memory_space<semaphore_mem>>
      %dma_start3A_62 = tpu.memref_slice %arg3[%add3A_56] : memref<640000xi32, #tpu.memory_space<hbm>> -> memref<16xi32, #tpu.memory_space<hbm>>
      %dma_start3A_63 = tpu.memref_slice %arg3[%add3A_56] : memref<640000xi32, #tpu.memory_space<hbm>> -> memref<16xi32, #tpu.memory_space<hbm>>
      tpu.enqueue_dma source(%dma_start3A_63 : memref<16xi32, #tpu.memory_space<hbm>>) target(%arg12 : memref<16xi32, #tpu.memory_space<vmem>>) target_semaphore(%run_scoped3A : memref<!tpu.dma_semaphore, #tpu.memory_space<semaphore_mem>>)
      %dma_wait3A_64 = tpu.memref_slice %arg3[%add3A_56] : memref<640000xi32, #tpu.memory_space<hbm>> -> memref<16xi32, #tpu.memory_space<hbm>>
      %dma_wait3A_65 = tpu.memref_slice %arg3[%add3A_56] : memref<640000xi32, #tpu.memory_space<hbm>> -> memref<16xi32, #tpu.memory_space<hbm>>
      tpu.wait_dma2 semaphore(%run_scoped3A : memref<!tpu.dma_semaphore, #tpu.memory_space<semaphore_mem>>) src(%dma_wait3A_65 : memref<16xi32, #tpu.memory_space<hbm>>) dst(%arg12 : memref<16xi32, #tpu.memory_space<vmem>>)
      tpu.yield
    }) : () -> ()
    %dma_wait3A = arith.constant 9984 : i32
    %dma_wait3A_57 = tpu.memref_slice %arg7[%dma_wait3A] : memref<10000xi32, #tpu.memory_space<vmem>> -> memref<16xi32, #tpu.memory_space<vmem>>
    %dma_wait3A_58 = arith.constant 0 : i32
    %dma_wait3A_59 = arith.constant 0 : i32
    %dma_wait3A_60 = tpu.memref_slice %arg2[%dma_wait3A_58, %dma_wait3A_59] : memref<80000x128xf32, #tpu.memory_space<hbm>> -> memref<80000x128xf32, #tpu.memory_space<hbm>>
    tpu.wait_indirect_dma semaphore(%arg14 : memref<!tpu.dma_semaphore, #tpu.memory_space<semaphore_mem>>) src(%dma_wait3A_60 : memref<80000x128xf32, #tpu.memory_space<hbm>>) dst(%arg13 : memref<16x128xf32, #tpu.memory_space<vmem>>)
    "tpu.region"() ({
      %run_scoped3A = tpu.sem_alloc : memref<!tpu.dma_semaphore, #tpu.memory_space<semaphore_mem>>
      %dma_start3A_62 = arith.constant 0 : i32
      %dma_start3A_63 = arith.constant 0 : i32
      %dma_start3A_64 = tpu.memref_slice %arg6[%dma_start3A_62, %dma_start3A_63] : memref<10240x128xf32, #tpu.memory_space<vmem_shared>> -> memref<10240x128xf32, #tpu.memory_space<vmem_shared>>
      tpu.enqueue_indirect_dma source(%arg13 : memref<16x128xf32, #tpu.memory_space<vmem>>) target(%dma_start3A_64 : memref<10240x128xf32, #tpu.memory_space<vmem_shared>>) offsets(%arg12 : memref<16xi32, #tpu.memory_space<vmem>>) semaphore(%run_scoped3A : memref<!tpu.dma_semaphore, #tpu.memory_space<semaphore_mem>>) {add = true}
      %dma_wait3A_65 = arith.constant 0 : i32
      %dma_wait3A_66 = arith.constant 0 : i32
      %dma_wait3A_67 = tpu.memref_slice %arg6[%dma_wait3A_65, %dma_wait3A_66] : memref<10240x128xf32, #tpu.memory_space<vmem_shared>> -> memref<10240x128xf32, #tpu.memory_space<vmem_shared>>
      tpu.wait_indirect_dma semaphore(%run_scoped3A : memref<!tpu.dma_semaphore, #tpu.memory_space<semaphore_mem>>) src(%arg13 : memref<16x128xf32, #tpu.memory_space<vmem>>) dst(%dma_wait3A_67 : memref<10240x128xf32, #tpu.memory_space<vmem_shared>>)
      tpu.yield
    }) : () -> ()
    %barrier3A_61 = arith.constant 0 : index
    tpu.barrier barrier_id(%barrier3A_61)
    "tpu.region"() ({
      %run_scoped3A = tpu.sem_alloc : memref<!tpu.dma_semaphore, #tpu.memory_space<semaphore_mem>>
      %dma_start3A_62 = arith.constant 0 : i32
      %dma_start3A_63 = tpu.memref_slice %arg5[%arg0, %mul3A_10, %dma_start3A_62] : memref<2x10240x128xf32, #tpu.memory_space<hbm>> -> memref<1x640x128xf32, #tpu.memory_space<hbm>>
      %dma_start3A_64 = tpu.memref_squeeze %dma_start3A_63 : memref<1x640x128xf32, #tpu.memory_space<hbm>> -> memref<640x128xf32, #tpu.memory_space<hbm>>
      %dma_start3A_65 = arith.constant 0 : i32
      %dma_start3A_66 = tpu.memref_slice %arg6[%mul3A_10, %dma_start3A_65] : memref<10240x128xf32, #tpu.memory_space<vmem_shared>> -> memref<640x128xf32, #tpu.memory_space<vmem_shared>>
      tpu.enqueue_dma source(%dma_start3A_66 : memref<640x128xf32, #tpu.memory_space<vmem_shared>>) target(%dma_start3A_64 : memref<640x128xf32, #tpu.memory_space<hbm>>) target_semaphore(%run_scoped3A : memref<!tpu.dma_semaphore, #tpu.memory_space<semaphore_mem>>)
      %dma_wait3A_67 = arith.constant 0 : i32
      %dma_wait3A_68 = tpu.memref_slice %arg5[%arg0, %mul3A_10, %dma_wait3A_67] : memref<2x10240x128xf32, #tpu.memory_space<hbm>> -> memref<1x640x128xf32, #tpu.memory_space<hbm>>
      %dma_wait3A_69 = tpu.memref_squeeze %dma_wait3A_68 : memref<1x640x128xf32, #tpu.memory_space<hbm>> -> memref<640x128xf32, #tpu.memory_space<hbm>>
      %dma_wait3A_70 = arith.constant 0 : i32
      %dma_wait3A_71 = tpu.memref_slice %arg6[%mul3A_10, %dma_wait3A_70] : memref<10240x128xf32, #tpu.memory_space<vmem_shared>> -> memref<640x128xf32, #tpu.memory_space<vmem_shared>>
      tpu.wait_dma2 semaphore(%run_scoped3A : memref<!tpu.dma_semaphore, #tpu.memory_space<semaphore_mem>>) src(%dma_wait3A_71 : memref<640x128xf32, #tpu.memory_space<vmem_shared>>) dst(%dma_wait3A_69 : memref<640x128xf32, #tpu.memory_space<hbm>>)
      tpu.yield
    }) : () -> ()
    return
  }
}

module attributes {stable_mosaic.version = 14 : i64} {
  func.func @_selfloop_body(%arg0: i32, %arg1: memref<5000x128xf32, #tpu.memory_space<vmem>>, %arg2: memref<128x128xf32, #tpu.memory_space<vmem>>, %arg3: memref<5000x128xf32, #tpu.memory_space<vmem>>) attributes {dimension_semantics = [#tpu.dimension_semantics<arbitrary>], iteration_bounds = array<i64: 2>, scalar_prefetch = 0 : i64, scratch_operands = 0 : i64, tpu.core_type = #tpu.core_type<tc>, window_params = [{transform_indices = @transform_0, window_bounds = array<i64: 5000, 128>}, {pipeline_mode = #tpu.pipeline_mode<synchronous>, transform_indices = @transform_1, window_bounds = array<i64: 128, 128>}, {transform_indices = @transform_2, window_bounds = array<i64: 5000, 128>}]} {
    %get3A = arith.constant 0 : index
    %get3A_0 = arith.constant 0 : index
    %get3A_1 = vector.load %arg1[%get3A, %get3A_0] : memref<5000x128xf32, #tpu.memory_space<vmem>>, vector<5000x128xf32>
    %get3A_2 = arith.constant 0 : index
    %get3A_3 = arith.constant 0 : index
    %get3A_4 = vector.load %arg2[%get3A_2, %get3A_3] : memref<128x128xf32, #tpu.memory_space<vmem>>, vector<128x128xf32>
    %dot_general3A = arith.constant dense<0.000000e+00> : vector<5000x128xf32>
    %dot_general3A_5 = tpu.matmul %get3A_1, %get3A_4, %dot_general3A {dimension_numbers = #tpu.dot_dimension_numbers<[1], [0], [0], [1], [0, 0, 1, 1], [], []>, transpose_lhs_hint = false} : vector<5000x128xf32>, vector<128x128xf32>, vector<5000x128xf32> -> vector<5000x128xf32>
    %swap3A = arith.constant 0 : index
    %swap3A_6 = arith.constant 0 : index
    %swap3A_7 = vector.load %arg3[%swap3A, %swap3A_6] : memref<5000x128xf32, #tpu.memory_space<vmem>>, vector<5000x128xf32>
    tpu.vector_store %arg3[%swap3A, %swap3A_6], %dot_general3A_5 {strides = array<i32>} : memref<5000x128xf32, #tpu.memory_space<vmem>>, vector<5000x128xf32>,
    return
  }
  func.func @transform_0(%arg0: i32) -> (i32, i32) {
    %c0_i32 = arith.constant 0 : i32
    %c0_i32_0 = arith.constant 0 : i32
    return %arg0, %c0_i32 : i32, i32
  }
  func.func @transform_1(%arg0: i32) -> (i32, i32) {
    %c0_i32 = arith.constant 0 : i32
    %c0_i32_0 = arith.constant 0 : i32
    %c0_i32_1 = arith.constant 0 : i32
    return %c0_i32, %c0_i32_0 : i32, i32
  }
  func.func @transform_2(%arg0: i32) -> (i32, i32) {
    %c0_i32 = arith.constant 0 : i32
    %c0_i32_0 = arith.constant 0 : i32
    return %arg0, %c0_i32 : i32, i32
  }
}

module attributes {stable_mosaic.version = 14 : i64} {
  func.func @_transform_body(%arg0: i32, %arg1: memref<8x8xf32, #tpu.memory_space<smem>>, %arg2: memref<8x128x128xf32, #tpu.memory_space<vmem>>, %arg3: memref<10000x128xf32, #tpu.memory_space<vmem>>, %arg4: memref<2500x128xi32, #tpu.memory_space<vmem>>, %arg5: memref<1x2500x128xi32, #tpu.memory_space<vmem>>, %arg6: memref<10000x128xf32, #tpu.memory_space<vmem>>, %arg7: memref<2500x128xi32, #tpu.memory_space<vmem>>, %arg8: memref<10000x128xbf16, #tpu.memory_space<vmem>>) attributes {dimension_semantics = [#tpu.dimension_semantics<arbitrary>], iteration_bounds = array<i64: 8>, scalar_prefetch = 0 : i64, scratch_operands = 1 : i64, tpu.core_type = #tpu.core_type<tc>, window_params = [{transform_indices = @transform_0, window_bounds = array<i64: 8, 8>}, {pipeline_mode = #tpu.pipeline_mode<synchronous>, transform_indices = @transform_1, window_bounds = array<i64: 8, 128, 128>}, {pipeline_mode = #tpu.pipeline_mode<synchronous>, transform_indices = @transform_2, window_bounds = array<i64: 10000, 128>}, {pipeline_mode = #tpu.pipeline_mode<synchronous>, transform_indices = @transform_3, window_bounds = array<i64: 2500, 128>}, {transform_indices = @transform_4, window_bounds = array<i64: 1, 2500, 128>}, {transform_indices = @transform_5, window_bounds = array<i64: 10000, 128>}, {pipeline_mode = #tpu.pipeline_mode<synchronous>, transform_indices = @transform_6, window_bounds = array<i64: 2500, 128>}]} {
    %eq3A = arith.constant 0 : i32
    %eq3A_0 = arith.cmpi eq, %arg0, %eq3A : i32
    %convert_element_type3A = arith.extui %eq3A_0 : i1 to i32
    %cond3A = arith.constant 0 : i32
    %cond3A_1 = arith.cmpi ne, %convert_element_type3A, %cond3A : i32
    scf.if %cond3A_1 {
      %get3A_93 = arith.constant 0 : index
      %get3A_94 = arith.constant 0 : index
      %get3A_95 = vector.load %arg3[%get3A_93, %get3A_94] : memref<10000x128xf32, #tpu.memory_space<vmem>>, vector<10000x128xf32>
      %convert_element_type3A_96 = arith.truncf %get3A_95 : vector<10000x128xf32> to vector<10000x128xbf16>
      %swap3A_97 = arith.constant 0 : index
      %swap3A_98 = arith.constant 0 : index
      %swap3A_99 = vector.load %arg8[%swap3A_97, %swap3A_98] : memref<10000x128xbf16, #tpu.memory_space<vmem>>, vector<10000x128xbf16>
      tpu.vector_store %arg8[%swap3A_97, %swap3A_98], %convert_element_type3A_96 {strides = array<i32>} : memref<10000x128xbf16, #tpu.memory_space<vmem>>, vector<10000x128xbf16>,
      %get3A_100 = arith.constant 0 : index
      %get3A_101 = arith.constant 0 : index
      %get3A_102 = vector.load %arg4[%get3A_100, %get3A_101] : memref<2500x128xi32, #tpu.memory_space<vmem>>, vector<2500x128xi32>
      %mul3A_103 = arith.constant 10000 : i32
      %mul3A_104 = vector.broadcast %mul3A_103 : i32 to vector<2500x128xi32>
      %mul3A_105 = arith.muli %get3A_102, %mul3A_104 : vector<2500x128xi32>
      %get3A_106 = arith.constant 0 : index
      %get3A_107 = arith.constant 0 : index
      %get3A_108 = arith.constant 0 : index
      %get3A_109 = vector.load %arg5[%get3A_106, %get3A_107, %get3A_108] : memref<1x2500x128xi32, #tpu.memory_space<vmem>>, vector<1x2500x128xi32>
      %get3A_110 = vector.shape_cast %get3A_109 : vector<1x2500x128xi32> to vector<2500x128xi32>
      %add3A_111 = arith.addi %mul3A_105, %get3A_110 : vector<2500x128xi32>
      %swap3A_112 = arith.constant 0 : index
      %swap3A_113 = arith.constant 0 : index
      %swap3A_114 = vector.load %arg7[%swap3A_112, %swap3A_113] : memref<2500x128xi32, #tpu.memory_space<vmem>>, vector<2500x128xi32>
      tpu.vector_store %arg7[%swap3A_112, %swap3A_113], %add3A_111 {strides = array<i32>} : memref<2500x128xi32, #tpu.memory_space<vmem>>, vector<2500x128xi32>,
    } else {
    }
    %get3A = arith.index_cast %arg0 : i32 to index
    %get3A_2 = arith.constant 0 : index
    %get3A_3 = memref.load %arg1[%get3A, %get3A_2] : memref<8x8xf32, #tpu.memory_space<smem>>
    %get3A_4 = arith.constant 0 : index
    %get3A_5 = arith.constant 0 : index
    %get3A_6 = arith.constant 0 : index
    %get3A_7 = vector.load %arg2[%get3A_4, %get3A_5, %get3A_6] : memref<8x128x128xf32, #tpu.memory_space<vmem>>, vector<1x128x128xf32>
    %get3A_8 = vector.shape_cast %get3A_7 : vector<1x128x128xf32> to vector<128x128xf32>
    %mul3A = vector.broadcast %get3A_3 : f32 to vector<128x128xf32>
    %mul3A_9 = arith.mulf %mul3A, %get3A_8 : vector<128x128xf32>
    %get3A_10 = arith.index_cast %arg0 : i32 to index
    %get3A_11 = arith.constant 1 : index
    %get3A_12 = memref.load %arg1[%get3A_10, %get3A_11] : memref<8x8xf32, #tpu.memory_space<smem>>
    %get3A_13 = arith.constant 1 : index
    %get3A_14 = arith.constant 0 : index
    %get3A_15 = arith.constant 0 : index
    %get3A_16 = vector.load %arg2[%get3A_13, %get3A_14, %get3A_15] : memref<8x128x128xf32, #tpu.memory_space<vmem>>, vector<1x128x128xf32>
    %get3A_17 = vector.shape_cast %get3A_16 : vector<1x128x128xf32> to vector<128x128xf32>
    %mul3A_18 = vector.broadcast %get3A_12 : f32 to vector<128x128xf32>
    %mul3A_19 = arith.mulf %mul3A_18, %get3A_17 : vector<128x128xf32>
    %add3A = arith.addf %mul3A_9, %mul3A_19 : vector<128x128xf32>
    %get3A_20 = arith.index_cast %arg0 : i32 to index
    %get3A_21 = arith.constant 2 : index
    %get3A_22 = memref.load %arg1[%get3A_20, %get3A_21] : memref<8x8xf32, #tpu.memory_space<smem>>
    %get3A_23 = arith.constant 2 : index
    %get3A_24 = arith.constant 0 : index
    %get3A_25 = arith.constant 0 : index
    %get3A_26 = vector.load %arg2[%get3A_23, %get3A_24, %get3A_25] : memref<8x128x128xf32, #tpu.memory_space<vmem>>, vector<1x128x128xf32>
    %get3A_27 = vector.shape_cast %get3A_26 : vector<1x128x128xf32> to vector<128x128xf32>
    %mul3A_28 = vector.broadcast %get3A_22 : f32 to vector<128x128xf32>
    %mul3A_29 = arith.mulf %mul3A_28, %get3A_27 : vector<128x128xf32>
    %add3A_30 = arith.addf %add3A, %mul3A_29 : vector<128x128xf32>
    %get3A_31 = arith.index_cast %arg0 : i32 to index
    %get3A_32 = arith.constant 3 : index
    %get3A_33 = memref.load %arg1[%get3A_31, %get3A_32] : memref<8x8xf32, #tpu.memory_space<smem>>
    %get3A_34 = arith.constant 3 : index
    %get3A_35 = arith.constant 0 : index
    %get3A_36 = arith.constant 0 : index
    %get3A_37 = vector.load %arg2[%get3A_34, %get3A_35, %get3A_36] : memref<8x128x128xf32, #tpu.memory_space<vmem>>, vector<1x128x128xf32>
    %get3A_38 = vector.shape_cast %get3A_37 : vector<1x128x128xf32> to vector<128x128xf32>
    %mul3A_39 = vector.broadcast %get3A_33 : f32 to vector<128x128xf32>
    %mul3A_40 = arith.mulf %mul3A_39, %get3A_38 : vector<128x128xf32>
    %add3A_41 = arith.addf %add3A_30, %mul3A_40 : vector<128x128xf32>
    %get3A_42 = arith.index_cast %arg0 : i32 to index
    %get3A_43 = arith.constant 4 : index
    %get3A_44 = memref.load %arg1[%get3A_42, %get3A_43] : memref<8x8xf32, #tpu.memory_space<smem>>
    %get3A_45 = arith.constant 4 : index
    %get3A_46 = arith.constant 0 : index
    %get3A_47 = arith.constant 0 : index
    %get3A_48 = vector.load %arg2[%get3A_45, %get3A_46, %get3A_47] : memref<8x128x128xf32, #tpu.memory_space<vmem>>, vector<1x128x128xf32>
    %get3A_49 = vector.shape_cast %get3A_48 : vector<1x128x128xf32> to vector<128x128xf32>
    %mul3A_50 = vector.broadcast %get3A_44 : f32 to vector<128x128xf32>
    %mul3A_51 = arith.mulf %mul3A_50, %get3A_49 : vector<128x128xf32>
    %add3A_52 = arith.addf %add3A_41, %mul3A_51 : vector<128x128xf32>
    %get3A_53 = arith.index_cast %arg0 : i32 to index
    %get3A_54 = arith.constant 5 : index
    %get3A_55 = memref.load %arg1[%get3A_53, %get3A_54] : memref<8x8xf32, #tpu.memory_space<smem>>
    %get3A_56 = arith.constant 5 : index
    %get3A_57 = arith.constant 0 : index
    %get3A_58 = arith.constant 0 : index
    %get3A_59 = vector.load %arg2[%get3A_56, %get3A_57, %get3A_58] : memref<8x128x128xf32, #tpu.memory_space<vmem>>, vector<1x128x128xf32>
    %get3A_60 = vector.shape_cast %get3A_59 : vector<1x128x128xf32> to vector<128x128xf32>
    %mul3A_61 = vector.broadcast %get3A_55 : f32 to vector<128x128xf32>
    %mul3A_62 = arith.mulf %mul3A_61, %get3A_60 : vector<128x128xf32>
    %add3A_63 = arith.addf %add3A_52, %mul3A_62 : vector<128x128xf32>
    %get3A_64 = arith.index_cast %arg0 : i32 to index
    %get3A_65 = arith.constant 6 : index
    %get3A_66 = memref.load %arg1[%get3A_64, %get3A_65] : memref<8x8xf32, #tpu.memory_space<smem>>
    %get3A_67 = arith.constant 6 : index
    %get3A_68 = arith.constant 0 : index
    %get3A_69 = arith.constant 0 : index
    %get3A_70 = vector.load %arg2[%get3A_67, %get3A_68, %get3A_69] : memref<8x128x128xf32, #tpu.memory_space<vmem>>, vector<1x128x128xf32>
    %get3A_71 = vector.shape_cast %get3A_70 : vector<1x128x128xf32> to vector<128x128xf32>
    %mul3A_72 = vector.broadcast %get3A_66 : f32 to vector<128x128xf32>
    %mul3A_73 = arith.mulf %mul3A_72, %get3A_71 : vector<128x128xf32>
    %add3A_74 = arith.addf %add3A_63, %mul3A_73 : vector<128x128xf32>
    %get3A_75 = arith.index_cast %arg0 : i32 to index
    %get3A_76 = arith.constant 7 : index
    %get3A_77 = memref.load %arg1[%get3A_75, %get3A_76] : memref<8x8xf32, #tpu.memory_space<smem>>
    %get3A_78 = arith.constant 7 : index
    %get3A_79 = arith.constant 0 : index
    %get3A_80 = arith.constant 0 : index
    %get3A_81 = vector.load %arg2[%get3A_78, %get3A_79, %get3A_80] : memref<8x128x128xf32, #tpu.memory_space<vmem>>, vector<1x128x128xf32>
    %get3A_82 = vector.shape_cast %get3A_81 : vector<1x128x128xf32> to vector<128x128xf32>
    %mul3A_83 = vector.broadcast %get3A_77 : f32 to vector<128x128xf32>
    %mul3A_84 = arith.mulf %mul3A_83, %get3A_82 : vector<128x128xf32>
    %add3A_85 = arith.addf %add3A_74, %mul3A_84 : vector<128x128xf32>
    %get3A_86 = arith.constant 0 : index
    %get3A_87 = arith.constant 0 : index
    %get3A_88 = vector.load %arg8[%get3A_86, %get3A_87] : memref<10000x128xbf16, #tpu.memory_space<vmem>>, vector<10000x128xbf16>
    %convert_element_type3A_89 = arith.truncf %add3A_85 : vector<128x128xf32> to vector<128x128xbf16>
    %dot_general3A = arith.constant dense<0.000000e+00> : vector<10000x128xf32>
    %dot_general3A_90 = tpu.matmul %get3A_88, %convert_element_type3A_89, %dot_general3A {dimension_numbers = #tpu.dot_dimension_numbers<[1], [0], [0], [1], [0, 0, 1, 1], [], []>, transpose_lhs_hint = false} : vector<10000x128xbf16>, vector<128x128xbf16>, vector<10000x128xf32> -> vector<10000x128xf32>
    %swap3A = arith.constant 0 : index
    %swap3A_91 = arith.constant 0 : index
    %swap3A_92 = vector.load %arg6[%swap3A, %swap3A_91] : memref<10000x128xf32, #tpu.memory_space<vmem>>, vector<10000x128xf32>
    tpu.vector_store %arg6[%swap3A, %swap3A_91], %dot_general3A_90 {strides = array<i32>} : memref<10000x128xf32, #tpu.memory_space<vmem>>, vector<10000x128xf32>,
    return
  }
  func.func @transform_0(%arg0: i32) -> (i32, i32) {
    %c0_i32 = arith.constant 0 : i32
    %c0_i32_0 = arith.constant 0 : i32
    %c0_i32_1 = arith.constant 0 : i32
    return %c0_i32, %c0_i32_0 : i32, i32
  }
  func.func @transform_1(%arg0: i32) -> (i32, i32, i32) {
    %c0_i32 = arith.constant 0 : i32
    %c0_i32_0 = arith.constant 0 : i32
    %c0_i32_1 = arith.constant 0 : i32
    %c0_i32_2 = arith.constant 0 : i32
    return %c0_i32, %c0_i32_0, %c0_i32_1 : i32, i32, i32
  }
  func.func @transform_2(%arg0: i32) -> (i32, i32) {
    %c0_i32 = arith.constant 0 : i32
    %c0_i32_0 = arith.constant 0 : i32
    %c0_i32_1 = arith.constant 0 : i32
    return %c0_i32, %c0_i32_0 : i32, i32
  }
  func.func @transform_3(%arg0: i32) -> (i32, i32) {
    %c0_i32 = arith.constant 0 : i32
    %c0_i32_0 = arith.constant 0 : i32
    %c0_i32_1 = arith.constant 0 : i32
    return %c0_i32, %c0_i32_0 : i32, i32
  }
  func.func @transform_4(%arg0: i32) -> (i32, i32, i32) {
    %c0_i32 = arith.constant 0 : i32
    %c0_i32_0 = arith.constant 0 : i32
    %c0_i32_1 = arith.constant 0 : i32
    %c0_i32_2 = arith.constant 0 : i32
    return %c0_i32, %c0_i32_0, %c0_i32_1 : i32, i32, i32
  }
  func.func @transform_5(%arg0: i32) -> (i32, i32) {
    %c0_i32 = arith.constant 0 : i32
    %c0_i32_0 = arith.constant 0 : i32
    return %arg0, %c0_i32 : i32, i32
  }
  func.func @transform_6(%arg0: i32) -> (i32, i32) {
    %c0_i32 = arith.constant 0 : i32
    %c0_i32_0 = arith.constant 0 : i32
    %c0_i32_1 = arith.constant 0 : i32
    return %c0_i32, %c0_i32_0 : i32, i32
  }
}

module attributes {stable_mosaic.version = 14 : i64} {
  func.func @_final_body(%arg0: i32, %arg1: memref<2x5000x128xf32, #tpu.memory_space<vmem>>, %arg2: memref<5000x128xf32, #tpu.memory_space<vmem>>, %arg3: memref<1x128xf32, #tpu.memory_space<vmem>>, %arg4: memref<1x128xf32, #tpu.memory_space<vmem>>, %arg5: memref<1x128xf32, #tpu.memory_space<vmem>>, %arg6: memref<5000x128xf32, #tpu.memory_space<vmem>>) attributes {dimension_semantics = [#tpu.dimension_semantics<arbitrary>], iteration_bounds = array<i64: 2>, scalar_prefetch = 0 : i64, scratch_operands = 0 : i64, tpu.core_type = #tpu.core_type<tc>, window_params = [{transform_indices = @transform_0, window_bounds = array<i64: 2, 5000, 128>}, {transform_indices = @transform_1, window_bounds = array<i64: 5000, 128>}, {pipeline_mode = #tpu.pipeline_mode<synchronous>, transform_indices = @transform_2, window_bounds = array<i64: 1, 128>}, {pipeline_mode = #tpu.pipeline_mode<synchronous>, transform_indices = @transform_3, window_bounds = array<i64: 1, 128>}, {pipeline_mode = #tpu.pipeline_mode<synchronous>, transform_indices = @transform_4, window_bounds = array<i64: 1, 128>}, {transform_indices = @transform_5, window_bounds = array<i64: 5000, 128>}]} {
    %get3A = arith.constant 0 : index
    %get3A_0 = arith.constant 0 : index
    %get3A_1 = arith.constant 0 : index
    %get3A_2 = vector.load %arg1[%get3A, %get3A_0, %get3A_1] : memref<2x5000x128xf32, #tpu.memory_space<vmem>>, vector<1x5000x128xf32>
    %get3A_3 = vector.shape_cast %get3A_2 : vector<1x5000x128xf32> to vector<5000x128xf32>
    %get3A_4 = arith.constant 1 : index
    %get3A_5 = arith.constant 0 : index
    %get3A_6 = arith.constant 0 : index
    %get3A_7 = vector.load %arg1[%get3A_4, %get3A_5, %get3A_6] : memref<2x5000x128xf32, #tpu.memory_space<vmem>>, vector<1x5000x128xf32>
    %get3A_8 = vector.shape_cast %get3A_7 : vector<1x5000x128xf32> to vector<5000x128xf32>
    %add3A = arith.addf %get3A_3, %get3A_8 : vector<5000x128xf32>
    %get3A_9 = arith.constant 0 : index
    %get3A_10 = arith.constant 0 : index
    %get3A_11 = vector.load %arg2[%get3A_9, %get3A_10] : memref<5000x128xf32, #tpu.memory_space<vmem>>, vector<5000x128xf32>
    %add3A_12 = arith.addf %add3A, %get3A_11 : vector<5000x128xf32>
    %get3A_13 = arith.constant 0 : index
    %get3A_14 = arith.constant 0 : index
    %get3A_15 = vector.load %arg3[%get3A_13, %get3A_14] : memref<1x128xf32, #tpu.memory_space<vmem>>, vector<1x128xf32>
    %add3A_16 = vector.broadcast %get3A_15 : vector<1x128xf32> to vector<5000x128xf32>
    %add3A_17 = arith.addf %add3A_12, %add3A_16 : vector<5000x128xf32>
    %reduce_sum3A = arith.constant dense<0.000000e+00> : vector<5000xf32>
    %reduce_sum3A_18 = vector.multi_reduction <add>, %add3A_17, %reduce_sum3A [1] : vector<5000x128xf32> to vector<5000xf32>
    %broadcast_in_dim3A = vector.shape_cast %reduce_sum3A_18 : vector<5000xf32> to vector<5000x1xf32>
    %div3A = arith.constant 1.280000e+02 : f32
    %div3A_19 = vector.broadcast %div3A : f32 to vector<5000x1xf32>
    %div3A_20 = arith.divf %broadcast_in_dim3A, %div3A_19 : vector<5000x1xf32>
    %sub3A = vector.broadcast %div3A_20 : vector<5000x1xf32> to vector<5000x128xf32>
    %sub3A_21 = arith.subf %add3A_17, %sub3A : vector<5000x128xf32>
    %mul3A = arith.mulf %sub3A_21, %sub3A_21 : vector<5000x128xf32>
    %reduce_sum3A_22 = arith.constant dense<0.000000e+00> : vector<5000xf32>
    %reduce_sum3A_23 = vector.multi_reduction <add>, %mul3A, %reduce_sum3A_22 [1] : vector<5000x128xf32> to vector<5000xf32>
    %broadcast_in_dim3A_24 = vector.shape_cast %reduce_sum3A_23 : vector<5000xf32> to vector<5000x1xf32>
    %div3A_25 = arith.constant 1.280000e+02 : f32
    %div3A_26 = vector.broadcast %div3A_25 : f32 to vector<5000x1xf32>
    %div3A_27 = arith.divf %broadcast_in_dim3A_24, %div3A_26 : vector<5000x1xf32>
    %add3A_28 = arith.constant 9.99999974E-6 : f32
    %add3A_29 = vector.broadcast %add3A_28 : f32 to vector<5000x1xf32>
    %add3A_30 = arith.addf %div3A_27, %add3A_29 : vector<5000x1xf32>
    %rsqrt3A = math.rsqrt %add3A_30 : vector<5000x1xf32>
    %mul3A_31 = vector.broadcast %rsqrt3A : vector<5000x1xf32> to vector<5000x128xf32>
    %mul3A_32 = arith.mulf %sub3A_21, %mul3A_31 : vector<5000x128xf32>
    %get3A_33 = arith.constant 0 : index
    %get3A_34 = arith.constant 0 : index
    %get3A_35 = vector.load %arg4[%get3A_33, %get3A_34] : memref<1x128xf32, #tpu.memory_space<vmem>>, vector<1x128xf32>
    %mul3A_36 = vector.broadcast %get3A_35 : vector<1x128xf32> to vector<5000x128xf32>
    %mul3A_37 = arith.mulf %mul3A_32, %mul3A_36 : vector<5000x128xf32>
    %get3A_38 = arith.constant 0 : index
    %get3A_39 = arith.constant 0 : index
    %get3A_40 = vector.load %arg5[%get3A_38, %get3A_39] : memref<1x128xf32, #tpu.memory_space<vmem>>, vector<1x128xf32>
    %add3A_41 = vector.broadcast %get3A_40 : vector<1x128xf32> to vector<5000x128xf32>
    %add3A_42 = arith.addf %mul3A_37, %add3A_41 : vector<5000x128xf32>
    %max3A = arith.constant 0.000000e+00 : f32
    %max3A_43 = vector.broadcast %max3A : f32 to vector<5000x128xf32>
    %max3A_44 = arith.maximumf %add3A_42, %max3A_43 : vector<5000x128xf32>
    %swap3A = arith.constant 0 : index
    %swap3A_45 = arith.constant 0 : index
    %swap3A_46 = vector.load %arg6[%swap3A, %swap3A_45] : memref<5000x128xf32, #tpu.memory_space<vmem>>, vector<5000x128xf32>
    tpu.vector_store %arg6[%swap3A, %swap3A_45], %max3A_44 {strides = array<i32>} : memref<5000x128xf32, #tpu.memory_space<vmem>>, vector<5000x128xf32>,
    return
  }
  func.func @transform_0(%arg0: i32) -> (i32, i32, i32) {
    %c0_i32 = arith.constant 0 : i32
    %c0_i32_0 = arith.constant 0 : i32
    %c0_i32_1 = arith.constant 0 : i32
    return %c0_i32, %arg0, %c0_i32_0 : i32, i32, i32
  }
  func.func @transform_1(%arg0: i32) -> (i32, i32) {
    %c0_i32 = arith.constant 0 : i32
    %c0_i32_0 = arith.constant 0 : i32
    return %arg0, %c0_i32 : i32, i32
  }
  func.func @transform_2(%arg0: i32) -> (i32, i32) {
    %c0_i32 = arith.constant 0 : i32
    %c0_i32_0 = arith.constant 0 : i32
    %c0_i32_1 = arith.constant 0 : i32
    return %c0_i32, %c0_i32_0 : i32, i32
  }
  func.func @transform_3(%arg0: i32) -> (i32, i32) {
    %c0_i32 = arith.constant 0 : i32
    %c0_i32_0 = arith.constant 0 : i32
    %c0_i32_1 = arith.constant 0 : i32
    return %c0_i32, %c0_i32_0 : i32, i32
  }
  func.func @transform_4(%arg0: i32) -> (i32, i32) {
    %c0_i32 = arith.constant 0 : i32
    %c0_i32_0 = arith.constant 0 : i32
    %c0_i32_1 = arith.constant 0 : i32
    return %c0_i32, %c0_i32_0 : i32, i32
  }
  func.func @transform_5(%arg0: i32) -> (i32, i32) {
    %c0_i32 = arith.constant 0 : i32
    %c0_i32_0 = arith.constant 0 : i32
    return %arg0, %c0_i32 : i32, i32
  }
}

</mosaic_0001>

<sc_bundles>
// kernel: kernel.6.cloned.1.call-start
scs
__scs_entry_jumppad:
0x0: {  	(pc) =	sbr.rel $0x88, $3  }
0x1: {  	(tag) =	ssettag $0x0;
	lr =	simm.s32 $0x1  }
0x2: {  	[smem:$0x3F98] =	sst lr;
	_ =	strace $0xD0000000  }
0x3: {  	_ = 	snop  }
0x4: {  	_ = 	snop  }
0x5: {  	_ = 	snop  }
0x6: {  	_ = 	snop  }
0x7: {  	_ = 	snop  }
__scs_overlays_trampoline_lowered:
0x8: {  	[smem:$0x3FA7] =	sst s0  }
0x9: {  	[smem:$0x3FA8] =	sst s1  }
0xa: {  	[smem:$0x3FA9] =	sst s2  }
0xb: {  	[smem:$0x3FAA] =	sst s3  }
0xc: {  	[smem:$0x3FAB] =	sst s4  }
0xd: {  	[smem:$0x3FAC] =	sst s5  }
0xe: {  	[smem:$0x3FAD] =	sst s6  }
0xf: {  	[smem:$0x3FAE] =	sst s7  }
0x10: {  	[smem:$0x3FAF] =	sst s8  }
0x11: {  	[smem:$0x3FB0] =	sst s9;
	s0 =	simm.s32 @!p0 $0x0  }
0x12: {  	s1 =	sld [smem:$0x3F96];
	s0 =	simm.s32 @p0 $0x1  }
0x13: {  	[smem:$0x3FB1] =	sst s0;
	s0 =	simm.s32 @!p1 $0x0  }
0x14: {  	s2 =	sld [smem:$0x3F95];
	s0 =	simm.s32 @p1 $0x1  }
0x15: {  	[smem:$0x3FB2] =	sst s0;
	s0 =	simm.s32 @!p2 $0x0  }
0x16: {  	s3 =	sld [smem:$0x3FDB];
	s0 =	simm.s32 @p2 $0x1  }
0x17: {  	s4 =	simm.s32 $0x1BF5;
	[smem:$0x3FB4] =	sst s0  }
0x18: {  	s0 =	sld [smem:$0x3F97];
	_ =	swait.ge [sflag:s4], $0x0  }
0x19: {  	s7 =	sld [smem:$0x3F98]  }
0x1a: {  	s8 =	sadd.s32 $0xFFFFE003, lr  }
0x1b: {  	s9 =	sadd.s32 $0xFFFFFEF7, lr;
	s5 =	simm.s32 $0xFFFFFFFF;
	p2 =	slt.u32 s8, $0xFFFFF086  }
0x1c: {  	p1 =	slt.u32 s9, $0xF7A;
	s5 =	simm.s32 @!p2 $0x0  }
0x1d: {  	s5 =	simm.s32 @p1 $0x1;
	p0 =	seq.s32 s7, s2  }
0x1e: {  	s7 =	smul.u32 @!p0 $0xF7A, s2;
	p2 =	seq.s32 @!p0 s5, $0x0  }
0x1f: {  	s9 =	smul.u32 $0xF7A, s1;
	s8 =	simm.s32 @!p0 $0x1BF5;
	p2 =	por !p2, p0  }
0x20: {  	[sflag:s8] =	ssyncset.s32 @!p0 $0xFFFFF086;
	s6 =	sadd.s32 @!p0 s3, s7;
	s7 =	simm.s32 @!p0 $0x108  }
0x21: {  	s3 =	sadd.s32 s3, s9;
	s6 =	sadd.s32 @!p0 $0x88, s6;
	s7 =	simm.s32 @p2 $0x1082  }
0x22: {  	[simem:s7], [sflag:s8] =	dma.local @!p0 [hbm:s6], $0xF7A  }
0x23: {  	s9 =	sor.u32 $0xD0000000, s2;
	s6 =	simm.s32 $0x108;
	_ =	swait.ge @!p0 [sflag:s8], $0x0  }
0x24: {  	s3 =	sadd.s32 $0x88, s3;
	s6 =	simm.s32 @!p1 $0x1082;
	[sflag:s4] =	ssyncset.s32 $0xFFFFF086  }
0x25: {  	[simem:s6], [sflag:s4] =	dma.local [hbm:s3], $0xF7A  }
0x26: {  	[smem:$0x3F98] =	sst s1;
	(tag) =	ssettag s2;
	_ =	strace s9  }
0x27: {  	s1 =	sld [smem:$0x3FA8]  }
0x28: {  	s2 =	sld [smem:$0x3FA9]  }
0x29: {  	s4 =	sld [smem:$0x3FAB]  }
0x2a: {  	p0 =	seq.s32 s5, $0x0;
	s5 =	sld [smem:$0x3FAC]  }
0x2b: {  	s6 =	sld [smem:$0x3FAD]  }
0x2c: {  	s7 =	sld [smem:$0x3FAE]  }
0x2d: {  	s3 =	simm.s32 $0x108;
	s8 =	sld [smem:$0x3FAF]  }
0x2e: {  	s3 =	simm.s32 @!p0 $0x1082;
	s9 =	sld [smem:$0x3FB0]  }
0x2f: {  	lr =	sadd.s32 s0, s3;
	s0 =	sld [smem:$0x3FA7]  }
0x30: {  	s3 =	sld [smem:$0x3FAA]  }
0x31: {  	[smem:$0x3FB3] =	sst s10  }
0x32: {  	s10 =	sld [smem:$0x3FB1];
	_ =	sdelay $0x3  }
0x33: {  	p0 =	seq.s32 s10, $0x1;
	s10 =	sld [smem:$0x3FB3];
	_ =	sdelay $0x3  }
0x34: {  	[smem:$0x3FB3] =	sst s10  }
0x35: {  	s10 =	sld [smem:$0x3FB2];
	_ =	sdelay $0x3  }
0x36: {  	p1 =	seq.s32 s10, $0x1;
	s10 =	sld [smem:$0x3FB3];
	_ =	sdelay $0x3  }
0x37: {  	[smem:$0x3FB3] =	sst s10  }
0x38: {  	s10 =	sld [smem:$0x3FB4]  }
0x39: {  	_ = 	snop;
	(pc) =	sbr.ind lr, $3  }
0x3a: {  	_ = 	snop  }
0x3b: {  	_ = 	snop  }
0x3c: {  	p2 =	seq.s32 s10, $0x1;
	s10 =	sld [smem:$0x3FB3]  }
0x3d: {  	_ =	shalt  }
0x3e: {  	_ =	shalt  }
0x3f: {  	_ =	shalt  }
0x40: {  	_ =	shalt  }
0x41: {  	_ =	shalt  }
0x42: {  	_ =	shalt  }
0x43: {  	_ =	shalt  }
0x44: {  	_ =	shalt  }
0x45: {  	_ =	shalt  }
0x46: {  	_ =	shalt  }
0x47: {  	_ =	shalt  }
0x48: {  	_ =	shalt  }
0x49: {  	_ =	shalt  }
0x4a: {  	_ =	shalt  }
0x4b: {  	_ =	shalt  }
0x4c: {  	_ =	shalt  }
0x4d: {  	_ =	shalt  }
0x4e: {  	_ =	shalt  }
0x4f: {  	_ =	shalt  }
0x50: {  	_ =	shalt  }
0x51: {  	_ =	shalt  }
0x52: {  	_ =	shalt  }
0x53: {  	_ =	shalt  }
0x54: {  	_ =	shalt  }
0x55: {  	_ =	shalt  }
0x56: {  	_ =	shalt  }
0x57: {  	_ =	shalt  }
0x58: {  	_ =	shalt  }
0x59: {  	_ =	shalt  }
0x5a: {  	_ =	shalt  }
0x5b: {  	_ =	shalt  }
0x5c: {  	_ =	shalt  }
0x5d: {  	_ =	shalt  }
0x5e: {  	_ =	shalt  }
0x5f: {  	_ =	shalt  }
0x60: {  	_ =	shalt  }
0x61: {  	_ =	shalt  }
0x62: {  	_ =	shalt  }
0x63: {  	_ =	shalt  }
0x64: {  	_ =	shalt  }
0x65: {  	_ =	shalt  }
0x66: {  	_ =	shalt  }
0x67: {  	_ =	shalt  }
0x68: {  	_ =	shalt  }
0x69: {  	_ =	shalt  }
0x6a: {  	_ =	shalt  }
0x6b: {  	_ =	shalt  }
0x6c: {  	_ =	shalt  }
0x6d: {  	_ =	shalt  }
0x6e: {  	_ =	shalt  }
0x6f: {  	_ =	shalt  }
0x70: {  	_ =	shalt  }
0x71: {  	_ =	shalt  }
0x72: {  	_ =	shalt  }
0x73: {  	_ =	shalt  }
0x74: {  	_ =	shalt  }
0x75: {  	_ =	shalt  }
0x76: {  	_ =	shalt  }
0x77: {  	_ =	shalt  }
0x78: {  	_ =	shalt  }
0x79: {  	_ =	shalt  }
0x7a: {  	_ =	shalt  }
0x7b: {  	_ =	shalt  }
0x7c: {  	_ =	shalt  }
0x7d: {  	_ =	shalt  }
0x7e: {  	_ =	shalt  }
0x7f: {  	_ =	shalt  }
0x80: {  	_ =	shalt  }
0x81: {  	_ =	shalt  }
0x82: {  	_ =	shalt  }
0x83: {  	_ =	shalt  }
0x84: {  	_ =	shalt  }
0x85: {  	_ =	shalt  }
0x86: {  	_ =	shalt  }
0x87: {  	_ =	shalt  }
.Lfunc_end0:
.L_simem_size_0:
called_computation_lowered:
.L_overlay_start_0:
0x88: {  	s2 =	sld [smem:$0x3FD9]  }
0x89: {  	s3 =	sld [smem:$0x3FFE];
	_ =	sdelay $0x1  }
0x8a: {  	s1 =	srdreg.scid  }
0x8b: {  	s0 =	sand.u32 $0x1, s1  }
0x8c: {  	s17 =	sshll.u32 s0, $0xA;
	s2 =	sadd.s32 s3, s2  }
0x8d: {  	s2 =	sadd.s32 s2, s17  }
0x8e: {  	[smem:$0x3FBF] =	sst s2  }
0x8f: {  	_ = 	snop  }
0x90: {  	s2 =	sld [smem:$0x3FD0];
	(tm) =	ssettm $0x1  }
0x91: {  	s18 =	sld [smem:$0x3FFB];
	_ =	sdelay $0x3  }
0x92: {  	_ =	strace s18  }
0x93: {  	s3 =	sld [smem:$0x3FFC];
	_ =	sdelay $0x3  }
0x94: {  	_ =	strace s3  }
0x95: {  	s3 =	sld [smem:$0x3FFD];
	_ =	sdelay $0x3  }
0x96: {  	_ =	strace s3  }
0x97: {  	_ =	strace $0x8FFFFFFF  }
0x98: {  	s19 =	sld [smem:$0x3FDB];
	_ =	sdelay $0x1  }
0x99: {  	s4 =	simm.s32 $_scs_section_size  }
0x9a: {  	s5 =	simm.s32 $_size__tile_overlayer_lowered;
	s6 =	simm.s32 $_tile_overlayer_lowered  }
0x9b: {  	s22 =	simm.s32 $0x1BFF;
	s21 =	sshll.u32 s6, $0x1;
	s3 =	sadd.s32 s4, s19  }
0x9c: {  	s7 =	simm.s32 $0x0;
	s20 =	sshll.u32 s5, $0x1;
	s5 =	sadd.s32 s21, s3  }
0x9d: {  	[timem:s7], [sflag:s22] =	dma.local [hbm:s5], s20  }
0x9e: {  	_ =	swait.ge [sflag:s22], s20  }
0x9f: {  	s4 =	ssub.s32 $0x0, s20;
	[sflag:s22] =	ssyncset.done $0x0  }
0xa0: {  	[sflag:s22] =	ssyncadd.s32 s4;
	_ =	sdelay $0x1  }
0xa1: {  	s23 =	simm.s32 $0x1B8B  }
0xa2: {  	_ =	swait.ge [sflag:s23], $0x1  }
0xa3: {  	[sflag:s23] =	ssyncset.done $0x0  }
0xa4: {  	s25 =	simm.s32 $0x1B8E;
	s24 =	sld [smem:$0x3FFE];
	[sflag:s23] =	ssyncadd.s32 $0xFFFFFFFF  }
0xa5: {  	s26 =	simm.s32 $execute0_lowered;
	[smem:$0x3FD2] =	sst s25  }
0xa6: {  	s5 =	sshll.u32 s26, $0x1;
	_ =	strace $0x80000046;
	[dreg:$0x1] =	wrdreg $0xFFFFFFFF  }
0xa7: {  	s28 =	simm.s32 $_size_execute0_lowered;
	s3 =	sadd.s32 s3, s5;
	[dreg:$0x0] =	wrdreg $0x0  }
0xa8: {  	s5 =	sshll.u32 s28, $0x1;
	[dreg:$0x2] =	wrdreg s3  }
0xa9: {  	[dreg:$0x3] =	wrdreg s5  }
0xaa: {  	[dreg:$0x4] =	wrdreg $0xC0  }
0xab: {  	_ =	task [dreg:s7], $0x5FFFF  }
0xac: {  	[dreg:$0x1] =	wrdreg $0xFFFFFFFF  }
0xad: {  	[dreg:$0x0] =	wrdreg $0x60  }
0xae: {  	[dreg:$0x2] =	wrdreg s24  }
0xaf: {  	[dreg:$0x3] =	wrdreg s2  }
0xb0: {  	[dreg:$0x4] =	wrdreg $0x0  }
0xb1: {  	[dreg:$0x5] =	wrdreg $0x9  }
0xb2: {  	_ =	task.clear_ibuf [dreg:s7], $0x6FFFF;
	_ =	strace $0x90000046  }
0xb3: {  	s29 =	simm.s32 $0x9;
	_ =	strace $0x80000048  }
0xb4: {  	_ =	swait.ge [sflag:s29], $0x1  }
0xb5: {  	[sflag:s29] =	ssyncadd.s32 $0xFFFFFFFF  }
0xb6: {  	_ =	strace $0x90000048  }
0xb7: {  	_ =	sfence  }
0xb8: {  	s30 =	sld [smem:$0x0];
	_ =	sdelay $0x2  }
0xb9: {  	s31 =	sshll.u32 s1, $0xD;
	s1 =	sshrl.u32 s1, $0x2  }
0xba: {  	s3 =	sand.u32 $0x4000, s31;
	s1 =	sadd.s32 s1, s30  }
0xbb: {  	s0 =	sor.u32 s3, s0;
	s1 =	sshll.u32 s1, $0x11  }
0xbc: {  	s0 =	sor.u32 s1, s0  }
0xbd: {  	s0 =	sadd.s32 $0x8F2B, s0  }
0xbe: {  	[sflag:s0] =	ssyncadd.remote.s32 $0x1  }
0xbf: {  	_ =	sfence.sel $0xFFFF  }
0xc0: {  	[dreg:$0x0] =	wrdreg $0xFFFFFFFF;
	(pc) =	sbr.abs _section_cstart, $3  }
0xc1: {  	[dreg:$0x1] =	wrdreg $0xFFFFFFFF  }
0xc2: {  	_ =	task.clear_ibuf [dreg:s7], $0x2FFFF;
	_ =	strace $0x9FFFFFFF  }
0xc3: {  	(tm) =	ssettm $0x7FFFFFFF  }
tec
execute0_lowered:
.L_overlay_start_1:
0x0: {  	(tag) =	ssettag $0x1  }
0x1: {  	s0 =	srdreg.scid  }
0x2: {  	s1 =	rddreg [dreg:$0x0];
	s11 =	stileid.u32  }
0x3: {  	s6 =	rddreg [dreg:$0x1];
	s8 =	smul.u32 $0x14000, s11  }
0x4: {  	s28 =	simm.s32 $0x2;
	s29 =	simm.s32 $0x3;
	s17 =	smul.u32 $0x50000, s11  }
0x5: {  	s30 =	simm.s32 $0x4;
	s0 =	sand.u32 $0x1, s0;
	s22 =	smul.u32 $0x2710, s11  }
0x6: {  	s31 =	simm.s32 $0x10;
	s4 =	sadd.s32 $0x2200, s1;
	s7 =	smul.u32 $0x140000, s0  }
0x7: {  	s2 =	sshll.u32 s0, $0x4;
	s9 =	ssub.s32 $0x2, s0;
	s0 =	smul.u32 $0x27100, s0  }
0x8: {  	s3 =	sor.u32 s11, s2;
	s2 =	rddreg [dreg:$0x2];
	s19 =	sshrl.u32 s9, $0x1  }
0x9: {  	s5 =	smul.u32 $0x2710, s3;
	s3 =	simm.s32 $0x0;
	s16 =	sadd.s32 s8, s7  }
0xa: {  	s7 =	sshrl.u32 s17, $0x2;
	s15 =	ssub.s32 s9, s19;
	s0 =	sadd.s32 s22, s0  }
0xb: {  	s19 =	simm.s32 $0x5;
	s22 =	simm.s32 $0x16780;
	[smem:$0x7FF] =	sst s3  }
0xc: {  	s15 =	smax.u32 s15, $0x1;
	s10 =	sshrl.u32 s5, $0x3;
	s5 =	sshrl.u32 s16, $0x3  }
0xd: {  	_ =	strace $0x80000047;
	s18 =	sadd.s32 s10, s1;
	s1 =	sadd.s32 s5, s1  }
0xe: {  	s5 =	sadd.s32 s7, s2;
	s25 =	sadd.s32 s6, s10;
	s7 =	sadd.s32 $0x4E300, s0  }
0xf: {  	s0 =	sadd.s32 $0x4E380, s0;
	s20 =	sadd.s32 $0x13AA00, s18;
	s21 =	sadd.s32 $0x4000, s5  }
0x10: {  	s23 =	sadd.s32 $0x8000, s5;
	s24 =	sadd.s32 $0xC000, s5;
	s10 =	sadd.s32 $0x10000, s5  }
0x11: {  	s11 =	sadd.s32 $0x9C40, s25;
	s12 =	sadd.s32 $0x9C50, s25;
	s13 =	sadd.s32 $0xA120, s25  }
0x12: {  	s14 =	sadd.s32 $0x144800, s1;
	s26 =	sshrl.u32 s7, $0x3;
	[dreg:$0x4] =	wrdreg s20  }
0x13: {  	s0 =	sshrl.u32 s0, $0x3;
	s18 =	simm.s32 $0x14000;
	[dreg:$0x5] =	wrdreg s21  }
0x14: {  	s25 =	simm.s32 $0x16800;
	s1 =	simm.s32 $0x0;
	[dreg:$0x6] =	wrdreg s23  }
0x15: {  	[dreg:$0x7] =	wrdreg s24;
	s16 =	sadd.s32 s26, s6;
	s17 =	sadd.s32 s0, s6  }
0x16: {  	s20 =	simm.s32 $0x16880;
	s21 =	simm.s32 $0x80;
	s24 =	simm.s32 $0x1A880  }
0x17: {  	v0 =	vimm.f32 $0.0e+00;
	s26 =	simm.s32 $0x1;
	s0 =	simm.s32 $0x1E900;
	s23 =	simm.s32 $0x1E880  }
.LBB2_1:
0x18: {  	s6 =	rddreg [dreg:$0x4]  }
0x19: {  	[tilespmem:s18], [sflag:$0x5] =	stream.linear.gather [hbm4b:s6+s3], $0x2710, $0x38;
	[tilespmem:$0x1F100] =	vst v63  }
0x1a: {  	_ =	swait.ge [sflag:s19], $0x2710  }
0x1b: {  	[sflag:s19] =	ssyncset.done $0x0  }
0x1c: {  	s7 =	simm.s32 $0x200;
	s6 =	simm.s32 $0x0;
	[sflag:s19] =	ssyncadd.s32 $0xFFFFD8F0  }
.LBB2_2:
0x1d: {  	p0 =	sne.s32 s7, $0xFE00;
	[tilespmem:s6+$0x168F0] =	vst v0  }
0x1e: {  	[tilespmem:s6+$0x16880] =	vst v0  }
0x1f: {  	[tilespmem:s6+$0x16890] =	vst v0  }
.Ltmp0:
0x20: {  	[tilespmem:s6+$0x168A0] =	vst v0;
	(pc) =	sbr.rel @p0 .LBB2_2-.Ltmp0, $4  }
0x21: {  	[tilespmem:s6+$0x168B0] =	vst v0  }
0x22: {  	[tilespmem:s6+$0x168C0] =	vst v0  }
0x23: {  	[tilespmem:s6+$0x168D0] =	vst v0  }
0x24: {  	[tilespmem:s6+$0x168E0] =	vst v0;
	s6 =	sshra.s32 s7, $0x2;
	s7 =	sadd.s32 $0x200, s7  }
0x25: {  	[tilespmem:s6+$0x168F0] =	vst v0  }
0x26: {  	[tilespmem:s6+$0x16880] =	vst v0  }
0x27: {  	[tilespmem:s6+$0x16890] =	vst v0  }
0x28: {  	[tilespmem:s6+$0x168A0] =	vst v0  }
0x29: {  	[tilespmem:s6+$0x168B0] =	vst v0  }
0x2a: {  	[tilespmem:s6+$0x168C0] =	vst v0  }
0x2b: {  	[tilespmem:s6+$0x168D0] =	vst v0  }
0x2c: {  	[tilespmem:s6+$0x168E0] =	vst v0  }
0x2d: {  	[spmem:s5] =	stream.linear.scatter [tilespmem:s20], [sflag:$0x5], $0x4000, $0x38;
	[tilespmem:$0x1F100] =	vst v63  }
0x2e: {  	_ =	swait.ge [sflag:s19], $0x4000  }
0x2f: {  	[sflag:s19] =	ssyncset.done $0x0  }
0x30: {  	s9 =	rddreg [dreg:$0x5];
	[sflag:s19] =	ssyncadd.s32 $0xFFFFC000  }
0x31: {  	[spmem:s9] =	stream.linear.scatter [tilespmem:s20], [sflag:$0x5], $0x4000, $0x38;
	[tilespmem:$0x1F100] =	vst v63  }
0x32: {  	_ =	swait.ge [sflag:s19], $0x4000  }
0x33: {  	[sflag:s19] =	ssyncset.done $0x0  }
0x34: {  	s7 =	rddreg [dreg:$0x6];
	[sflag:s19] =	ssyncadd.s32 $0xFFFFC000  }
0x35: {  	[spmem:s7] =	stream.linear.scatter [tilespmem:s20], [sflag:$0x5], $0x4000, $0x38;
	[tilespmem:$0x1F100] =	vst v63  }
0x36: {  	_ =	swait.ge [sflag:s19], $0x4000  }
0x37: {  	[sflag:s19] =	ssyncset.done $0x0  }
0x38: {  	s8 =	rddreg [dreg:$0x7];
	[sflag:s19] =	ssyncadd.s32 $0xFFFFC000  }
0x39: {  	[spmem:s8] =	stream.linear.scatter [tilespmem:s20], [sflag:$0x5], $0x4000, $0x38;
	[tilespmem:$0x1F100] =	vst v63  }
0x3a: {  	_ =	swait.ge [sflag:s19], $0x4000  }
0x3b: {  	[sflag:s19] =	ssyncset.done $0x0  }
0x3c: {  	[sflag:s19] =	ssyncadd.s32 $0xFFFFC000  }
0x3d: {  	[spmem:s10] =	stream.linear.scatter [tilespmem:s20], [sflag:$0x5], $0x4000, $0x38;
	[tilespmem:$0x1F100] =	vst v63  }
0x3e: {  	_ =	swait.ge [sflag:s19], $0x4000  }
0x3f: {  	[sflag:s19] =	ssyncset.done $0x0  }
0x40: {  	[sflag:s19] =	ssyncadd.s32 $0xFFFFC000  }
0x41: {  	[tilespmem:s20], [sflag:$0x1] =	stream.indirect.gather [hbm4b:s4+s21], $0x80, s18, s21, $0xb8;
	[tilespmem:$0x1F100] =	vst v63  }
0x42: {  	s9 =	simm.s32 $0x0  }
0x43: {  	[tilespmem:s22], [sflag:$0x1] =	stream.linear.gather [hbm4b:s11+s9], $0x80, $0x38;
	[tilespmem:$0x1F100] =	vst v63  }
0x44: {  	s7 =	simm.s32 $0x14080  }
0x45: {  	[tilespmem:s24], [sflag:$0x2] =	stream.indirect.gather [hbm4b:s4+s21], $0x80, s7, s21, $0xb8;
	[tilespmem:$0x1F100] =	vst v63  }
0x46: {  	_ = 	snop  }
0x47: {  	[tilespmem:s25], [sflag:$0x2] =	stream.linear.gather [hbm4b:s12+s9], $0x80, $0x38;
	[tilespmem:$0x1F100] =	vst v63  }
0x48: {  	[bflag:$0x0] =	sbarrier.arrive $0xFFFF  }
0x49: {  	_ =	swait.ge [sflag:s26], $0x4000  }
0x4a: {  	[sflag:s26] =	ssyncset.done $0x0  }
0x4b: {  	[sflag:s26] =	ssyncadd.s32 $0xFFFFC000  }
0x4c: {  	_ =	swait.ge [sflag:s26], $0x80  }
0x4d: {  	[sflag:s26] =	ssyncset.done $0x0  }
0x4e: {  	[sflag:s26] =	ssyncadd.s32 $0xFFFFFF80  }
0x4f: {  	[spmem:s2] =	stream.indirect.scatter.add.f32 [tilespmem:s20], [sflag:$0x3], $0x80, s22, s21, $0xb8;
	[tilespmem:$0x1F100] =	vst v63  }
0x50: {  	_ =	swait.ge [sflag:s28], $0x4000  }
0x51: {  	[sflag:s28] =	ssyncset.done $0x0  }
0x52: {  	[sflag:s28] =	ssyncadd.s32 $0xFFFFC000  }
0x53: {  	_ =	swait.ge [sflag:s28], $0x80  }
0x54: {  	[sflag:s28] =	ssyncset.done $0x0  }
0x55: {  	[sflag:s28] =	ssyncadd.s32 $0xFFFFFF80  }
0x56: {  	[spmem:s2] =	stream.indirect.scatter.add.f32 [tilespmem:s24], [sflag:$0x4], $0x80, s25, s21, $0xb8;
	[tilespmem:$0x1F100] =	vst v63  }
0x57: {  	_ =	swait.ge [sflag:s29], $0x4000  }
0x58: {  	[sflag:s29] =	ssyncset.done $0x0  }
0x59: {  	s7 =	simm.s32 $0x14100;
	[sflag:s29] =	ssyncadd.s32 $0xFFFFC000  }
0x5a: {  	[tilespmem:s20], [sflag:$0x1] =	stream.indirect.gather [hbm4b:s4+s21], $0x80, s7, s21, $0xb8;
	[tilespmem:$0x1F100] =	vst v63  }
0x5b: {  	s8 =	sadd.s32 $0x0, s16  }
0x5c: {  	[tilespmem:s22], [sflag:$0x1] =	stream.linear.gather [hbm4b:s8+s3], $0x80, $0x38;
	[tilespmem:$0x1F100] =	vst v63  }
0x5d: {  	_ =	swait.ge [sflag:s30], $0x4000  }
0x5e: {  	s6 =	simm.s32 $0x20;
	s9 =	simm.s32 $0x14180;
	[sflag:s30] =	ssyncset.done $0x0  }
0x5f: {  	s7 =	simm.s32 $0x14200;
	s8 =	sadd.s32 $0x0, s17;
	[sflag:s30] =	ssyncadd.s32 $0xFFFFC000  }
0x60: {  	[tilespmem:s24], [sflag:$0x2] =	stream.indirect.gather [hbm4b:s4+s21], $0x80, s9, s21, $0xb8;
	[tilespmem:$0x1F100] =	vst v63  }
.LBB2_4:
0x61: {  	[tilespmem:s25], [sflag:$0x2] =	stream.linear.gather [hbm4b:s8+s3], $0x80, $0x38;
	[tilespmem:$0x1F100] =	vst v63  }
0x62: {  	s8 =	smov.u32 s6  }
0x63: {  	p0 =	sne.s32 s6, $0x4A0;
	s6 =	sadd.s32 $0x20, s6;
	_ =	swait.ge [sflag:s26], $0x4000  }
0x64: {  	[sflag:s26] =	ssyncset.done $0x0  }
0x65: {  	[sflag:s26] =	ssyncadd.s32 $0xFFFFC000  }
0x66: {  	_ =	swait.ge [sflag:s26], $0x80  }
0x67: {  	[sflag:s26] =	ssyncset.done $0x0  }
0x68: {  	[sflag:s26] =	ssyncadd.s32 $0xFFFFFF80  }
0x69: {  	[spmem:s2] =	stream.indirect.scatter.add.f32 [tilespmem:s20], [sflag:$0x3], $0x80, s22, s21, $0xb8;
	[tilespmem:$0x1F100] =	vst v63  }
0x6a: {  	_ =	swait.ge [sflag:s28], $0x4000  }
0x6b: {  	[sflag:s28] =	ssyncset.done $0x0  }
0x6c: {  	[sflag:s28] =	ssyncadd.s32 $0xFFFFC000  }
0x6d: {  	_ =	swait.ge [sflag:s28], $0x80  }
0x6e: {  	[sflag:s28] =	ssyncset.done $0x0  }
0x6f: {  	[sflag:s28] =	ssyncadd.s32 $0xFFFFFF80  }
0x70: {  	[spmem:s2] =	stream.indirect.scatter.add.f32 [tilespmem:s24], [sflag:$0x4], $0x80, s25, s21, $0xb8;
	[tilespmem:$0x1F100] =	vst v63  }
0x71: {  	_ =	swait.ge [sflag:s29], $0x4000  }
0x72: {  	[sflag:s29] =	ssyncset.done $0x0  }
0x73: {  	[sflag:s29] =	ssyncadd.s32 $0xFFFFC000  }
0x74: {  	[tilespmem:s20], [sflag:$0x1] =	stream.indirect.gather [hbm4b:s4+s21], $0x80, s7, s21, $0xb8;
	[tilespmem:$0x1F100] =	vst v63  }
0x75: {  	s9 =	sadd.s32 s8, s16  }
0x76: {  	[tilespmem:s22], [sflag:$0x1] =	stream.linear.gather [hbm4b:s9+s3], $0x80, $0x38;
	[tilespmem:$0x1F100] =	vst v63  }
.Ltmp1:
0x77: {  	_ =	swait.ge [sflag:s30], $0x4000;
	(pc) =	sbr.rel @p0 .LBB2_4-.Ltmp1, $4  }
0x78: {  	[sflag:s30] =	ssyncset.done $0x0  }
0x79: {  	s9 =	sadd.s32 $0x80, s7;
	[sflag:s30] =	ssyncadd.s32 $0xFFFFC000  }
0x7a: {  	[tilespmem:s24], [sflag:$0x2] =	stream.indirect.gather [hbm4b:s4+s21], $0x80, s9, s21, $0xb8;
	[tilespmem:$0x1F100] =	vst v63  }
0x7b: {  	s8 =	sadd.s32 s8, s17;
	s7 =	sadd.s32 $0x100, s7  }
0x7c: {  	[tilespmem:s25], [sflag:$0x2] =	stream.linear.gather [hbm4b:s8+s3], $0x80, $0x38;
	[tilespmem:$0x1F100] =	vst v63  }
0x7d: {  	_ =	swait.ge [sflag:s26], $0x4000  }
0x7e: {  	[sflag:s26] =	ssyncset.done $0x0  }
0x7f: {  	[sflag:s26] =	ssyncadd.s32 $0xFFFFC000  }
0x80: {  	_ =	swait.ge [sflag:s26], $0x80  }
0x81: {  	[sflag:s26] =	ssyncset.done $0x0  }
0x82: {  	[sflag:s26] =	ssyncadd.s32 $0xFFFFFF80  }
0x83: {  	[spmem:s2] =	stream.indirect.scatter.add.f32 [tilespmem:s20], [sflag:$0x3], $0x80, s22, s21, $0xb8;
	[tilespmem:$0x1F100] =	vst v63  }
0x84: {  	_ =	swait.ge [sflag:s28], $0x4000  }
0x85: {  	[sflag:s28] =	ssyncset.done $0x0  }
0x86: {  	[sflag:s28] =	ssyncadd.s32 $0xFFFFC000  }
0x87: {  	_ =	swait.ge [sflag:s28], $0x80  }
0x88: {  	[sflag:s28] =	ssyncset.done $0x0  }
0x89: {  	[sflag:s28] =	ssyncadd.s32 $0xFFFFFF80  }
0x8a: {  	[spmem:s2] =	stream.indirect.scatter.add.f32 [tilespmem:s24], [sflag:$0x4], $0x80, s25, s21, $0xb8;
	[tilespmem:$0x1F100] =	vst v63  }
0x8b: {  	_ =	swait.ge [sflag:s29], $0x4000  }
0x8c: {  	[sflag:s29] =	ssyncset.done $0x0  }
0x8d: {  	[sflag:s29] =	ssyncadd.s32 $0xFFFFC000  }
0x8e: {  	_ =	swait.ge [sflag:s30], $0x4000  }
0x8f: {  	[sflag:s30] =	ssyncset.done $0x0  }
0x90: {  	s6 =	simm.s32 $0x16700;
	[sflag:s30] =	ssyncadd.s32 $0xFFFFC000  }
0x91: {  	[tilespmem:s0], [sflag:$0x1] =	stream.indirect.gather [hbm4b:s4+s31], $0x80, s6, s31, $0xb8;
	[tilespmem:$0x1F100] =	vst v63  }
0x92: {  	_ = 	snop  }
0x93: {  	[tilespmem:s23], [sflag:$0x5] =	stream.linear.gather [hbm4b:s13+s3], $0x10, $0x38;
	[tilespmem:$0x1F100] =	vst v63  }
0x94: {  	_ =	swait.ge [sflag:s19], $0x10  }
0x95: {  	[sflag:s19] =	ssyncset.done $0x0  }
0x96: {  	[sflag:s19] =	ssyncadd.s32 $0xFFFFFFF0  }
0x97: {  	_ =	swait.ge [sflag:s26], $0x800  }
0x98: {  	[sflag:s26] =	ssyncset.done $0x0  }
0x99: {  	[sflag:s26] =	ssyncadd.s32 $0xFFFFF800  }
0x9a: {  	[spmem:s2] =	stream.indirect.scatter.add.f32 [tilespmem:s0], [sflag:$0x5], $0x80, s23, s31, $0xb8;
	[tilespmem:$0x1F100] =	vst v63  }
0x9b: {  	s9 =	stileid.u32;
	_ =	swait.ge [sflag:s19], $0x800  }
0x9c: {  	s7 =	sshrl.u32 s5, $0x3;
	s1 =	sadd.s32 $0x1, s1;
	[sflag:s19] =	ssyncset.done $0x0  }
0x9d: {  	p0 =	sne.s32 s1, s15;
	s6 =	sshll.u32 s9, $0x6;
	[sflag:s19] =	ssyncadd.s32 $0xFFFFF800  }
.Ltmp2:
0x9e: {  	s6 =	sor.u32 $0x1C05, s6;
	[bflag:$0x0] =	sbarrier.arrive $0xFFFF;
	(pc) =	sbr.rel @p0 .LBB2_1-.Ltmp2, $4  }
0x9f: {  	[hbm:s14], [sflag:s6] =	dma.local [spmem:s7], $0x2800  }
0xa0: {  	_ =	swait.ge [sflag:s19], $0x2800  }
0xa1: {  	[sflag:s19] =	ssyncset.done $0x0  }
0xa2: {  	[sflag:s19] =	ssyncadd.s32 $0xFFFFD800  }
0xa3: {  	_ =	sfence.sel $0x180000  }
0xa4: {  	[bflag:$0x0] =	sbarrier.arrive $0xFFFF  }
0xa5: {  	_ =	strace $0x90000047  }
0xa6: {  	s0 =	stileid.u32;
	[bflag:$0x2] =	sbarrier.arrive $0xFFFF  }
0xa7: {  	p0 =	sne.s32 s0, $0x0;
	s0 =	rddreg [dreg:$0x3]  }
0xa8: {  	s0 =	sadd.s32 @!p0 $0x100000, s0  }
0xa9: {  	[sflag:s0] =	ssyncadd.tile.s32 @!p0 $0x1;
	_ =	shalt  }
.Lfunc_end2:
_tile_overlayer_lowered:
.L_overlay_start_2:
0xaa: {  	(tag) =	ssettag $0x2  }
0xab: {  	s0 =	rddreg [dreg:$0x0];
	s2 =	stileid.u32  }
0xac: {  	s1 =	rddreg [dreg:$0x1];
	p0 =	sne.s32 s2, $0x0  }
0xad: {  	s3 =	rddreg [dreg:$0x2];
	[bflag:$0x3] =	sbarrier.arrive $0xFFFF;
	s2 =	simm.s32 @!p0 $0x1C05  }
0xae: {  	[timem:s3], [sflag:s2] =	dma.local @!p0 [hbm:s0], s1  }
0xaf: {  	s0 =	simm.s32 @!p0 $0x5  }
0xb0: {  	_ =	swait.ge @!p0 [sflag:s0], s1  }
0xb1: {  	s1 =	ssub.s32 @!p0 $0x0, s1;
	[sflag:s0] =	ssyncset.done @!p0 $0x0  }
0xb2: {  	[sflag:s0] =	ssyncadd.s32 @!p0 s1  }
0xb3: {  	[bflag:$0x3] =	sbarrier.arrive $0xFFFF  }
0xb4: {  	_ =	shalt  }

</sc_bundles>
